<compile_context>
chip_gen: v7x
topology: tpu7x:2x2x1
jax: 0.10.2.dev20260603
libtpu: 0.0.44.dev20260713+nightly
codegen_flags: <defaults>
</compile_context>

<pallas_src>
import functools

import jax
import jax.numpy as jnp
from jax import lax
from jax.experimental import pallas as pl
from jax.experimental.pallas import tpu as pltpu
from jax.experimental.pallas import tpu_sc as plsc

_ROWS = 128
_N = 32768
_L = 16
_UNROLL = 8
_SC_ROWS = 32
_SPLIT = _ROWS - _SC_ROWS
_ROWS_PER_BLOCK = 32


def _masked_softmax_block(x_ref, m_ref, o_ref):
    x = x_ref[...]
    m = m_ref[...] == 1
    neg = jnp.finfo(x.dtype).min
    z = jnp.where(m, x, neg)
    mx = jnp.max(z, axis=-1, keepdims=True)
    e = jnp.exp(z - mx)
    s = jnp.sum(e, axis=-1, keepdims=True)
    scale = jnp.where(
        mx > neg,
        jnp.asarray(1.0, x.dtype) / jnp.maximum(s, jnp.asarray(1e-30, x.dtype)),
        jnp.zeros((), x.dtype),
    )
    o_ref[...] = e * scale


def _tc_part(x, m):
    cols = x.shape[1]
    spec = pl.BlockSpec((_ROWS_PER_BLOCK, cols), lambda i: (i, 0))
    return pl.pallas_call(
        _masked_softmax_block,
        grid=(_SPLIT // _ROWS_PER_BLOCK,),
        in_specs=[spec, spec],
        out_specs=spec,
        out_shape=jax.ShapeDtypeStruct((_ROWS, cols), x.dtype),
    )(x, m)


def _sc_masked_softmax(x_hbm, m_hbm, o_hbm, x_v, m_v, o_v):
    nc = 2
    wid = lax.axis_index("s") * nc + lax.axis_index("c")
    row = _SPLIT + wid
    neg = jnp.float32(jnp.finfo(jnp.float32).min)

    pltpu.sync_copy(x_hbm.at[row], x_v)
    pltpu.sync_copy(m_hbm.at[row], m_v)

    n_iters = _N // (_L * _UNROLL)

    def body_max(i, run):
        for u in range(_UNROLL):
            off = (i * _UNROLL + u) * _L
            xv = x_v[pl.ds(off, _L)]
            mv = m_v[pl.ds(off, _L)]
            run = jnp.maximum(run, jnp.where(mv == 1, xv, neg))
        return run

    run = lax.fori_loop(0, n_iters, body_max,
                        jnp.full((_L,), neg, jnp.float32))
    mx = run[0]
    for l in range(1, _L):
        mx = jnp.maximum(mx, run[l])

    def body_exp(i, acc):
        for u in range(_UNROLL):
            off = (i * _UNROLL + u) * _L
            xv = x_v[pl.ds(off, _L)]
            mv = m_v[pl.ds(off, _L)]
            e = jnp.exp(jnp.where(mv == 1, xv, neg) - mx)
            o_v[pl.ds(off, _L)] = e
            acc = acc + e
        return acc

    acc = lax.fori_loop(0, n_iters, body_exp, jnp.zeros((_L,), jnp.float32))
    s = acc[0]
    for l in range(1, _L):
        s = s + acc[l]
    s_vec = jnp.full((_L,), s, jnp.float32)
    mx_vec = jnp.full((_L,), mx, jnp.float32)
    scale = jnp.where(mx_vec > neg,
                      jnp.float32(1.0) / jnp.maximum(s_vec, jnp.float32(1e-30)),
                      jnp.float32(0.0))

    def body_scale(i, carry):
        for u in range(_UNROLL):
            off = (i * _UNROLL + u) * _L
            o_v[pl.ds(off, _L)] = o_v[pl.ds(off, _L)] * scale
        return carry

    lax.fori_loop(0, n_iters, body_scale, 0)
    pltpu.sync_copy(o_v, o_hbm.at[wid])


def _sc_part(x, m):
    mesh = plsc.VectorSubcoreMesh(core_axis_name="c", subcore_axis_name="s")
    k = pl.kernel(
        _sc_masked_softmax,
        mesh=mesh,
        out_type=jax.ShapeDtypeStruct((_SC_ROWS, _N), jnp.float32),
        scratch_types=[
            pltpu.VMEM((_N,), jnp.float32),
            pltpu.VMEM((_N,), jnp.int32),
            pltpu.VMEM((_N,), jnp.float32),
        ],
    )
    return k(x, m)


def kernel(inputLayer, mask):
    full = _tc_part(inputLayer, mask)
    sc = _sc_part(inputLayer, mask)
    return lax.dynamic_update_slice(full, sc, (_SPLIT, 0))

# --- scband reference (transcript-rebuilt; emitter-appended) ---
"""Pipeline reference for scband-masked-softmax-21492016349220 (READ-ONLY COPY).

The authoritative reference and input builder live on the scoring server;
editing this copy changes nothing except your own understanding.
"""

import jax, jax.numpy as jnp
import numpy as np


def setup_inputs(seed: int = 0) -> dict:
    key = jax.random.key(seed)
    k1, k2 = jax.random.split(key)
    inputLayer = jax.random.normal(k1, (128, 32768), dtype=jnp.float32)
    mask = jax.random.randint(k2, (128, 32768), 0, 2, dtype=jnp.int32)
    return {"inputLayer": inputLayer, "mask": mask}


def reference(inputLayer, mask):
    # Faithful translation of tf.sparse.softmax over entries where mask == 1,
    # densified with zeros elsewhere (softmax is taken along the last axis
    # over only the masked-in entries, matching tf.sparse.softmax semantics).
    m = jnp.equal(mask, 1)
    neg = jnp.finfo(inputLayer.dtype).min
    z = jnp.where(m, inputLayer, neg)
    z = z - jnp.max(z, axis=-1, keepdims=True)
    e = jnp.where(m, jnp.exp(z), jnp.zeros((), dtype=inputLayer.dtype))
    s = jnp.sum(e, axis=-1, keepdims=True)
    out = e / jnp.maximum(s, jnp.asarray(1e-30, dtype=inputLayer.dtype))
    return out

if __name__ == "__main__":
    import jax
    _d = setup_inputs()
    print(jax.jit(kernel)(*tuple(_d.values())))

</pallas_src>

<mosaic_0001>
#map = affine_map<(d0, d1) -> (0, 0)>
module attributes {stable_mosaic.version = 14 : i64} {
  func.func @_sc_masked_softmax(%arg0: i32, %arg1: i32, %arg2: memref<128x32768xf32, #tpu.memory_space<hbm>>, %arg3: memref<128x32768xi32, #tpu.memory_space<hbm>>, %arg4: memref<32x32768xf32, #tpu.memory_space<hbm>>, %arg5: memref<32768xf32, #tpu.memory_space<vmem>>, %arg6: memref<32768xi32, #tpu.memory_space<vmem>>, %arg7: memref<32768xf32, #tpu.memory_space<vmem>>) attributes {dimension_semantics = [#tpu.dimension_semantics<core_parallel>, #tpu.dimension_semantics<subcore_parallel>], iteration_bounds = array<i64: 2, 16>, scalar_prefetch = 0 : i64, scratch_operands = 3 : i64, tpu.core_type = #tpu.core_type<sc_vector_subcore>, window_params = [{transform_indices = #map}, {transform_indices = #map}, {transform_indices = #map}]} {
    %mul3A = arith.constant 2 : i32
    %mul3A_0 = arith.muli %arg1, %mul3A : i32
    %add3A = arith.addi %mul3A_0, %arg0 : i32
    %add3A_1 = arith.constant 96 : i32
    %add3A_2 = arith.addi %add3A_1, %add3A : i32
    "tpu.region"() ({
      %run_scoped3A = tpu.sem_alloc : memref<!tpu.dma_semaphore, #tpu.memory_space<semaphore_mem>>
      %dma_start3A = arith.constant 0 : i32
      %dma_start3A_126 = tpu.memref_slice %arg2[%add3A_2, %dma_start3A] : memref<128x32768xf32, #tpu.memory_space<hbm>> -> memref<1x32768xf32, #tpu.memory_space<hbm>>
      %dma_start3A_127 = tpu.memref_squeeze %dma_start3A_126 : memref<1x32768xf32, #tpu.memory_space<hbm>> -> memref<32768xf32, #tpu.memory_space<hbm>>
      %dma_start3A_128 = arith.constant 0 : i32
      %dma_start3A_129 = tpu.memref_slice %arg2[%add3A_2, %dma_start3A_128] : memref<128x32768xf32, #tpu.memory_space<hbm>> -> memref<1x32768xf32, #tpu.memory_space<hbm>>
      %dma_start3A_130 = tpu.memref_squeeze %dma_start3A_129 : memref<1x32768xf32, #tpu.memory_space<hbm>> -> memref<32768xf32, #tpu.memory_space<hbm>>
      tpu.enqueue_dma source(%dma_start3A_130 : memref<32768xf32, #tpu.memory_space<hbm>>) target(%arg5 : memref<32768xf32, #tpu.memory_space<vmem>>) target_semaphore(%run_scoped3A : memref<!tpu.dma_semaphore, #tpu.memory_space<semaphore_mem>>)
      %dma_wait3A = arith.constant 0 : i32
      %dma_wait3A_131 = tpu.memref_slice %arg2[%add3A_2, %dma_wait3A] : memref<128x32768xf32, #tpu.memory_space<hbm>> -> memref<1x32768xf32, #tpu.memory_space<hbm>>
      %dma_wait3A_132 = tpu.memref_squeeze %dma_wait3A_131 : memref<1x32768xf32, #tpu.memory_space<hbm>> -> memref<32768xf32, #tpu.memory_space<hbm>>
      %dma_wait3A_133 = arith.constant 0 : i32
      %dma_wait3A_134 = tpu.memref_slice %arg2[%add3A_2, %dma_wait3A_133] : memref<128x32768xf32, #tpu.memory_space<hbm>> -> memref<1x32768xf32, #tpu.memory_space<hbm>>
      %dma_wait3A_135 = tpu.memref_squeeze %dma_wait3A_134 : memref<1x32768xf32, #tpu.memory_space<hbm>> -> memref<32768xf32, #tpu.memory_space<hbm>>
      tpu.wait_dma2 semaphore(%run_scoped3A : memref<!tpu.dma_semaphore, #tpu.memory_space<semaphore_mem>>) src(%dma_wait3A_135 : memref<32768xf32, #tpu.memory_space<hbm>>) dst(%arg5 : memref<32768xf32, #tpu.memory_space<vmem>>)
      tpu.yield
    }) : () -> ()
    "tpu.region"() ({
      %run_scoped3A = tpu.sem_alloc : memref<!tpu.dma_semaphore, #tpu.memory_space<semaphore_mem>>
      %dma_start3A = arith.constant 0 : i32
      %dma_start3A_126 = tpu.memref_slice %arg3[%add3A_2, %dma_start3A] : memref<128x32768xi32, #tpu.memory_space<hbm>> -> memref<1x32768xi32, #tpu.memory_space<hbm>>
      %dma_start3A_127 = tpu.memref_squeeze %dma_start3A_126 : memref<1x32768xi32, #tpu.memory_space<hbm>> -> memref<32768xi32, #tpu.memory_space<hbm>>
      %dma_start3A_128 = arith.constant 0 : i32
      %dma_start3A_129 = tpu.memref_slice %arg3[%add3A_2, %dma_start3A_128] : memref<128x32768xi32, #tpu.memory_space<hbm>> -> memref<1x32768xi32, #tpu.memory_space<hbm>>
      %dma_start3A_130 = tpu.memref_squeeze %dma_start3A_129 : memref<1x32768xi32, #tpu.memory_space<hbm>> -> memref<32768xi32, #tpu.memory_space<hbm>>
      tpu.enqueue_dma source(%dma_start3A_130 : memref<32768xi32, #tpu.memory_space<hbm>>) target(%arg6 : memref<32768xi32, #tpu.memory_space<vmem>>) target_semaphore(%run_scoped3A : memref<!tpu.dma_semaphore, #tpu.memory_space<semaphore_mem>>)
      %dma_wait3A = arith.constant 0 : i32
      %dma_wait3A_131 = tpu.memref_slice %arg3[%add3A_2, %dma_wait3A] : memref<128x32768xi32, #tpu.memory_space<hbm>> -> memref<1x32768xi32, #tpu.memory_space<hbm>>
      %dma_wait3A_132 = tpu.memref_squeeze %dma_wait3A_131 : memref<1x32768xi32, #tpu.memory_space<hbm>> -> memref<32768xi32, #tpu.memory_space<hbm>>
      %dma_wait3A_133 = arith.constant 0 : i32
      %dma_wait3A_134 = tpu.memref_slice %arg3[%add3A_2, %dma_wait3A_133] : memref<128x32768xi32, #tpu.memory_space<hbm>> -> memref<1x32768xi32, #tpu.memory_space<hbm>>
      %dma_wait3A_135 = tpu.memref_squeeze %dma_wait3A_134 : memref<1x32768xi32, #tpu.memory_space<hbm>> -> memref<32768xi32, #tpu.memory_space<hbm>>
      tpu.wait_dma2 semaphore(%run_scoped3A : memref<!tpu.dma_semaphore, #tpu.memory_space<semaphore_mem>>) src(%dma_wait3A_135 : memref<32768xi32, #tpu.memory_space<hbm>>) dst(%arg6 : memref<32768xi32, #tpu.memory_space<vmem>>)
      tpu.yield
    }) : () -> ()
    %broadcast_in_dim3A = arith.constant -3.40282347E+38 : f32
    %broadcast_in_dim3A_3 = vector.broadcast %broadcast_in_dim3A : f32 to vector<16xf32>
    %scan3A = arith.constant -3.40282347E+38 : f32
    %scan3A_4 = arith.constant 0 : i32
    %scan3A_5 = arith.constant 256 : i32
    %scan3A_6 = arith.addi %scan3A_4, %scan3A_5 : i32
    %scan3A_7 = arith.constant 1 : i32
    %scan3A_8 = scf.for %scan3A_126 = %scan3A_4 to %scan3A_6 step %scan3A_7 iter_args(%scan3A_127 = %broadcast_in_dim3A_3) -> (vector<16xf32>)  : i32 {
      %mul3A_128 = arith.constant 8 : i32
      %mul3A_129 = arith.muli %scan3A_126, %mul3A_128 : i32
      %add3A_130 = arith.constant 0 : i32
      %add3A_131 = arith.addi %mul3A_129, %add3A_130 : i32
      %mul3A_132 = arith.constant 16 : i32
      %mul3A_133 = arith.muli %add3A_131, %mul3A_132 : i32
      %get3A = arith.index_cast %mul3A_133 : i32 to index
      %get3A_134 = tpu.vector_load %arg5[%get3A] {strides = array<i32>} : memref<32768xf32, #tpu.memory_space<vmem>>, vector<16xf32>,
      %get3A_135 = vector.shape_cast %get3A_134 : vector<16xf32> to vector<16xf32>
      %get3A_136 = arith.index_cast %mul3A_133 : i32 to index
      %get3A_137 = tpu.vector_load %arg6[%get3A_136] {strides = array<i32>} : memref<32768xi32, #tpu.memory_space<vmem>>, vector<16xi32>,
      %get3A_138 = vector.shape_cast %get3A_137 : vector<16xi32> to vector<16xi32>
      %eq3A = arith.constant 1 : i32
      %eq3A_139 = vector.broadcast %eq3A : i32 to vector<16xi32>
      %eq3A_140 = arith.cmpi eq, %get3A_138, %eq3A_139 : vector<16xi32>
      %broadcast_in_dim3A_141 = vector.broadcast %scan3A : f32 to vector<16xf32>
      %select_n3A_142 = arith.select %eq3A_140, %get3A_135, %broadcast_in_dim3A_141 : vector<16xi1>, vector<16xf32>
      %max3A_143 = arith.maximumf %scan3A_127, %select_n3A_142 : vector<16xf32>
      %mul3A_144 = arith.constant 8 : i32
      %mul3A_145 = arith.muli %scan3A_126, %mul3A_144 : i32
      %add3A_146 = arith.constant 1 : i32
      %add3A_147 = arith.addi %mul3A_145, %add3A_146 : i32
      %mul3A_148 = arith.constant 16 : i32
      %mul3A_149 = arith.muli %add3A_147, %mul3A_148 : i32
      %get3A_150 = arith.index_cast %mul3A_149 : i32 to index
      %get3A_151 = tpu.vector_load %arg5[%get3A_150] {strides = array<i32>} : memref<32768xf32, #tpu.memory_space<vmem>>, vector<16xf32>,
      %get3A_152 = vector.shape_cast %get3A_151 : vector<16xf32> to vector<16xf32>
      %get3A_153 = arith.index_cast %mul3A_149 : i32 to index
      %get3A_154 = tpu.vector_load %arg6[%get3A_153] {strides = array<i32>} : memref<32768xi32, #tpu.memory_space<vmem>>, vector<16xi32>,
      %get3A_155 = vector.shape_cast %get3A_154 : vector<16xi32> to vector<16xi32>
      %eq3A_156 = arith.constant 1 : i32
      %eq3A_157 = vector.broadcast %eq3A_156 : i32 to vector<16xi32>
      %eq3A_158 = arith.cmpi eq, %get3A_155, %eq3A_157 : vector<16xi32>
      %broadcast_in_dim3A_159 = vector.broadcast %scan3A : f32 to vector<16xf32>
      %select_n3A_160 = arith.select %eq3A_158, %get3A_152, %broadcast_in_dim3A_159 : vector<16xi1>, vector<16xf32>
      %max3A_161 = arith.maximumf %max3A_143, %select_n3A_160 : vector<16xf32>
      %mul3A_162 = arith.constant 8 : i32
      %mul3A_163 = arith.muli %scan3A_126, %mul3A_162 : i32
      %add3A_164 = arith.constant 2 : i32
      %add3A_165 = arith.addi %mul3A_163, %add3A_164 : i32
      %mul3A_166 = arith.constant 16 : i32
      %mul3A_167 = arith.muli %add3A_165, %mul3A_166 : i32
      %get3A_168 = arith.index_cast %mul3A_167 : i32 to index
      %get3A_169 = tpu.vector_load %arg5[%get3A_168] {strides = array<i32>} : memref<32768xf32, #tpu.memory_space<vmem>>, vector<16xf32>,
      %get3A_170 = vector.shape_cast %get3A_169 : vector<16xf32> to vector<16xf32>
      %get3A_171 = arith.index_cast %mul3A_167 : i32 to index
      %get3A_172 = tpu.vector_load %arg6[%get3A_171] {strides = array<i32>} : memref<32768xi32, #tpu.memory_space<vmem>>, vector<16xi32>,
      %get3A_173 = vector.shape_cast %get3A_172 : vector<16xi32> to vector<16xi32>
      %eq3A_174 = arith.constant 1 : i32
      %eq3A_175 = vector.broadcast %eq3A_174 : i32 to vector<16xi32>
      %eq3A_176 = arith.cmpi eq, %get3A_173, %eq3A_175 : vector<16xi32>
      %broadcast_in_dim3A_177 = vector.broadcast %scan3A : f32 to vector<16xf32>
      %select_n3A_178 = arith.select %eq3A_176, %get3A_170, %broadcast_in_dim3A_177 : vector<16xi1>, vector<16xf32>
      %max3A_179 = arith.maximumf %max3A_161, %select_n3A_178 : vector<16xf32>
      %mul3A_180 = arith.constant 8 : i32
      %mul3A_181 = arith.muli %scan3A_126, %mul3A_180 : i32
      %add3A_182 = arith.constant 3 : i32
      %add3A_183 = arith.addi %mul3A_181, %add3A_182 : i32
      %mul3A_184 = arith.constant 16 : i32
      %mul3A_185 = arith.muli %add3A_183, %mul3A_184 : i32
      %get3A_186 = arith.index_cast %mul3A_185 : i32 to index
      %get3A_187 = tpu.vector_load %arg5[%get3A_186] {strides = array<i32>} : memref<32768xf32, #tpu.memory_space<vmem>>, vector<16xf32>,
      %get3A_188 = vector.shape_cast %get3A_187 : vector<16xf32> to vector<16xf32>
      %get3A_189 = arith.index_cast %mul3A_185 : i32 to index
      %get3A_190 = tpu.vector_load %arg6[%get3A_189] {strides = array<i32>} : memref<32768xi32, #tpu.memory_space<vmem>>, vector<16xi32>,
      %get3A_191 = vector.shape_cast %get3A_190 : vector<16xi32> to vector<16xi32>
      %eq3A_192 = arith.constant 1 : i32
      %eq3A_193 = vector.broadcast %eq3A_192 : i32 to vector<16xi32>
      %eq3A_194 = arith.cmpi eq, %get3A_191, %eq3A_193 : vector<16xi32>
      %broadcast_in_dim3A_195 = vector.broadcast %scan3A : f32 to vector<16xf32>
      %select_n3A_196 = arith.select %eq3A_194, %get3A_188, %broadcast_in_dim3A_195 : vector<16xi1>, vector<16xf32>
      %max3A_197 = arith.maximumf %max3A_179, %select_n3A_196 : vector<16xf32>
      %mul3A_198 = arith.constant 8 : i32
      %mul3A_199 = arith.muli %scan3A_126, %mul3A_198 : i32
      %add3A_200 = arith.constant 4 : i32
      %add3A_201 = arith.addi %mul3A_199, %add3A_200 : i32
      %mul3A_202 = arith.constant 16 : i32
      %mul3A_203 = arith.muli %add3A_201, %mul3A_202 : i32
      %get3A_204 = arith.index_cast %mul3A_203 : i32 to index
      %get3A_205 = tpu.vector_load %arg5[%get3A_204] {strides = array<i32>} : memref<32768xf32, #tpu.memory_space<vmem>>, vector<16xf32>,
      %get3A_206 = vector.shape_cast %get3A_205 : vector<16xf32> to vector<16xf32>
      %get3A_207 = arith.index_cast %mul3A_203 : i32 to index
      %get3A_208 = tpu.vector_load %arg6[%get3A_207] {strides = array<i32>} : memref<32768xi32, #tpu.memory_space<vmem>>, vector<16xi32>,
      %get3A_209 = vector.shape_cast %get3A_208 : vector<16xi32> to vector<16xi32>
      %eq3A_210 = arith.constant 1 : i32
      %eq3A_211 = vector.broadcast %eq3A_210 : i32 to vector<16xi32>
      %eq3A_212 = arith.cmpi eq, %get3A_209, %eq3A_211 : vector<16xi32>
      %broadcast_in_dim3A_213 = vector.broadcast %scan3A : f32 to vector<16xf32>
      %select_n3A_214 = arith.select %eq3A_212, %get3A_206, %broadcast_in_dim3A_213 : vector<16xi1>, vector<16xf32>
      %max3A_215 = arith.maximumf %max3A_197, %select_n3A_214 : vector<16xf32>
      %mul3A_216 = arith.constant 8 : i32
      %mul3A_217 = arith.muli %scan3A_126, %mul3A_216 : i32
      %add3A_218 = arith.constant 5 : i32
      %add3A_219 = arith.addi %mul3A_217, %add3A_218 : i32
      %mul3A_220 = arith.constant 16 : i32
      %mul3A_221 = arith.muli %add3A_219, %mul3A_220 : i32
      %get3A_222 = arith.index_cast %mul3A_221 : i32 to index
      %get3A_223 = tpu.vector_load %arg5[%get3A_222] {strides = array<i32>} : memref<32768xf32, #tpu.memory_space<vmem>>, vector<16xf32>,
      %get3A_224 = vector.shape_cast %get3A_223 : vector<16xf32> to vector<16xf32>
      %get3A_225 = arith.index_cast %mul3A_221 : i32 to index
      %get3A_226 = tpu.vector_load %arg6[%get3A_225] {strides = array<i32>} : memref<32768xi32, #tpu.memory_space<vmem>>, vector<16xi32>,
      %get3A_227 = vector.shape_cast %get3A_226 : vector<16xi32> to vector<16xi32>
      %eq3A_228 = arith.constant 1 : i32
      %eq3A_229 = vector.broadcast %eq3A_228 : i32 to vector<16xi32>
      %eq3A_230 = arith.cmpi eq, %get3A_227, %eq3A_229 : vector<16xi32>
      %broadcast_in_dim3A_231 = vector.broadcast %scan3A : f32 to vector<16xf32>
      %select_n3A_232 = arith.select %eq3A_230, %get3A_224, %broadcast_in_dim3A_231 : vector<16xi1>, vector<16xf32>
      %max3A_233 = arith.maximumf %max3A_215, %select_n3A_232 : vector<16xf32>
      %mul3A_234 = arith.constant 8 : i32
      %mul3A_235 = arith.muli %scan3A_126, %mul3A_234 : i32
      %add3A_236 = arith.constant 6 : i32
      %add3A_237 = arith.addi %mul3A_235, %add3A_236 : i32
      %mul3A_238 = arith.constant 16 : i32
      %mul3A_239 = arith.muli %add3A_237, %mul3A_238 : i32
      %get3A_240 = arith.index_cast %mul3A_239 : i32 to index
      %get3A_241 = tpu.vector_load %arg5[%get3A_240] {strides = array<i32>} : memref<32768xf32, #tpu.memory_space<vmem>>, vector<16xf32>,
      %get3A_242 = vector.shape_cast %get3A_241 : vector<16xf32> to vector<16xf32>
      %get3A_243 = arith.index_cast %mul3A_239 : i32 to index
      %get3A_244 = tpu.vector_load %arg6[%get3A_243] {strides = array<i32>} : memref<32768xi32, #tpu.memory_space<vmem>>, vector<16xi32>,
      %get3A_245 = vector.shape_cast %get3A_244 : vector<16xi32> to vector<16xi32>
      %eq3A_246 = arith.constant 1 : i32
      %eq3A_247 = vector.broadcast %eq3A_246 : i32 to vector<16xi32>
      %eq3A_248 = arith.cmpi eq, %get3A_245, %eq3A_247 : vector<16xi32>
      %broadcast_in_dim3A_249 = vector.broadcast %scan3A : f32 to vector<16xf32>
      %select_n3A_250 = arith.select %eq3A_248, %get3A_242, %broadcast_in_dim3A_249 : vector<16xi1>, vector<16xf32>
      %max3A_251 = arith.maximumf %max3A_233, %select_n3A_250 : vector<16xf32>
      %mul3A_252 = arith.constant 8 : i32
      %mul3A_253 = arith.muli %scan3A_126, %mul3A_252 : i32
      %add3A_254 = arith.constant 7 : i32
      %add3A_255 = arith.addi %mul3A_253, %add3A_254 : i32
      %mul3A_256 = arith.constant 16 : i32
      %mul3A_257 = arith.muli %add3A_255, %mul3A_256 : i32
      %get3A_258 = arith.index_cast %mul3A_257 : i32 to index
      %get3A_259 = tpu.vector_load %arg5[%get3A_258] {strides = array<i32>} : memref<32768xf32, #tpu.memory_space<vmem>>, vector<16xf32>,
      %get3A_260 = vector.shape_cast %get3A_259 : vector<16xf32> to vector<16xf32>
      %get3A_261 = arith.index_cast %mul3A_257 : i32 to index
      %get3A_262 = tpu.vector_load %arg6[%get3A_261] {strides = array<i32>} : memref<32768xi32, #tpu.memory_space<vmem>>, vector<16xi32>,
      %get3A_263 = vector.shape_cast %get3A_262 : vector<16xi32> to vector<16xi32>
      %eq3A_264 = arith.constant 1 : i32
      %eq3A_265 = vector.broadcast %eq3A_264 : i32 to vector<16xi32>
      %eq3A_266 = arith.cmpi eq, %get3A_263, %eq3A_265 : vector<16xi32>
      %broadcast_in_dim3A_267 = vector.broadcast %scan3A : f32 to vector<16xf32>
      %select_n3A_268 = arith.select %eq3A_266, %get3A_260, %broadcast_in_dim3A_267 : vector<16xi1>, vector<16xf32>
      %max3A_269 = arith.maximumf %max3A_251, %select_n3A_268 : vector<16xf32>
      scf.yield %max3A_269 : vector<16xf32>
    }
    %scan3A_9 = arith.constant 256 : i32
    %slice3A = vector.extract_strided_slice %scan3A_8 {offsets = [0], sizes = [1], strides = [1]} : vector<16xf32> to vector<1xf32>
    %squeeze3A = vector.extract %slice3A[0] : f32 from vector<1xf32>
    %slice3A_10 = vector.extract_strided_slice %scan3A_8 {offsets = [1], sizes = [1], strides = [1]} : vector<16xf32> to vector<1xf32>
    %squeeze3A_11 = vector.extract %slice3A_10[0] : f32 from vector<1xf32>
    %max3A = arith.maximumf %squeeze3A, %squeeze3A_11 : f32
    %slice3A_12 = vector.extract_strided_slice %scan3A_8 {offsets = [2], sizes = [1], strides = [1]} : vector<16xf32> to vector<1xf32>
    %squeeze3A_13 = vector.extract %slice3A_12[0] : f32 from vector<1xf32>
    %max3A_14 = arith.maximumf %max3A, %squeeze3A_13 : f32
    %slice3A_15 = vector.extract_strided_slice %scan3A_8 {offsets = [3], sizes = [1], strides = [1]} : vector<16xf32> to vector<1xf32>
    %squeeze3A_16 = vector.extract %slice3A_15[0] : f32 from vector<1xf32>
    %max3A_17 = arith.maximumf %max3A_14, %squeeze3A_16 : f32
    %slice3A_18 = vector.extract_strided_slice %scan3A_8 {offsets = [4], sizes = [1], strides = [1]} : vector<16xf32> to vector<1xf32>
    %squeeze3A_19 = vector.extract %slice3A_18[0] : f32 from vector<1xf32>
    %max3A_20 = arith.maximumf %max3A_17, %squeeze3A_19 : f32
    %slice3A_21 = vector.extract_strided_slice %scan3A_8 {offsets = [5], sizes = [1], strides = [1]} : vector<16xf32> to vector<1xf32>
    %squeeze3A_22 = vector.extract %slice3A_21[0] : f32 from vector<1xf32>
    %max3A_23 = arith.maximumf %max3A_20, %squeeze3A_22 : f32
    %slice3A_24 = vector.extract_strided_slice %scan3A_8 {offsets = [6], sizes = [1], strides = [1]} : vector<16xf32> to vector<1xf32>
    %squeeze3A_25 = vector.extract %slice3A_24[0] : f32 from vector<1xf32>
    %max3A_26 = arith.maximumf %max3A_23, %squeeze3A_25 : f32
    %slice3A_27 = vector.extract_strided_slice %scan3A_8 {offsets = [7], sizes = [1], strides = [1]} : vector<16xf32> to vector<1xf32>
    %squeeze3A_28 = vector.extract %slice3A_27[0] : f32 from vector<1xf32>
    %max3A_29 = arith.maximumf %max3A_26, %squeeze3A_28 : f32
    %slice3A_30 = vector.extract_strided_slice %scan3A_8 {offsets = [8], sizes = [1], strides = [1]} : vector<16xf32> to vector<1xf32>
    %squeeze3A_31 = vector.extract %slice3A_30[0] : f32 from vector<1xf32>
    %max3A_32 = arith.maximumf %max3A_29, %squeeze3A_31 : f32
    %slice3A_33 = vector.extract_strided_slice %scan3A_8 {offsets = [9], sizes = [1], strides = [1]} : vector<16xf32> to vector<1xf32>
    %squeeze3A_34 = vector.extract %slice3A_33[0] : f32 from vector<1xf32>
    %max3A_35 = arith.maximumf %max3A_32, %squeeze3A_34 : f32
    %slice3A_36 = vector.extract_strided_slice %scan3A_8 {offsets = [10], sizes = [1], strides = [1]} : vector<16xf32> to vector<1xf32>
    %squeeze3A_37 = vector.extract %slice3A_36[0] : f32 from vector<1xf32>
    %max3A_38 = arith.maximumf %max3A_35, %squeeze3A_37 : f32
    %slice3A_39 = vector.extract_strided_slice %scan3A_8 {offsets = [11], sizes = [1], strides = [1]} : vector<16xf32> to vector<1xf32>
    %squeeze3A_40 = vector.extract %slice3A_39[0] : f32 from vector<1xf32>
    %max3A_41 = arith.maximumf %max3A_38, %squeeze3A_40 : f32
    %slice3A_42 = vector.extract_strided_slice %scan3A_8 {offsets = [12], sizes = [1], strides = [1]} : vector<16xf32> to vector<1xf32>
    %squeeze3A_43 = vector.extract %slice3A_42[0] : f32 from vector<1xf32>
    %max3A_44 = arith.maximumf %max3A_41, %squeeze3A_43 : f32
    %slice3A_45 = vector.extract_strided_slice %scan3A_8 {offsets = [13], sizes = [1], strides = [1]} : vector<16xf32> to vector<1xf32>
    %squeeze3A_46 = vector.extract %slice3A_45[0] : f32 from vector<1xf32>
    %max3A_47 = arith.maximumf %max3A_44, %squeeze3A_46 : f32
    %slice3A_48 = vector.extract_strided_slice %scan3A_8 {offsets = [14], sizes = [1], strides = [1]} : vector<16xf32> to vector<1xf32>
    %squeeze3A_49 = vector.extract %slice3A_48[0] : f32 from vector<1xf32>
    %max3A_50 = arith.maximumf %max3A_47, %squeeze3A_49 : f32
    %slice3A_51 = vector.extract_strided_slice %scan3A_8 {offsets = [15], sizes = [1], strides = [1]} : vector<16xf32> to vector<1xf32>
    %squeeze3A_52 = vector.extract %slice3A_51[0] : f32 from vector<1xf32>
    %max3A_53 = arith.maximumf %max3A_50, %squeeze3A_52 : f32
    %broadcast_in_dim3A_54 = arith.constant 0.000000e+00 : f32
    %broadcast_in_dim3A_55 = vector.broadcast %broadcast_in_dim3A_54 : f32 to vector<16xf32>
    %scan3A_56 = arith.constant -3.40282347E+38 : f32
    %scan3A_57 = arith.constant 0 : i32
    %scan3A_58 = arith.constant 256 : i32
    %scan3A_59 = arith.addi %scan3A_57, %scan3A_58 : i32
    %scan3A_60 = arith.constant 1 : i32
    %scan3A_61 = scf.for %scan3A_126 = %scan3A_57 to %scan3A_59 step %scan3A_60 iter_args(%scan3A_127 = %broadcast_in_dim3A_55) -> (vector<16xf32>)  : i32 {
      %mul3A_128 = arith.constant 8 : i32
      %mul3A_129 = arith.muli %scan3A_126, %mul3A_128 : i32
      %add3A_130 = arith.constant 0 : i32
      %add3A_131 = arith.addi %mul3A_129, %add3A_130 : i32
      %mul3A_132 = arith.constant 16 : i32
      %mul3A_133 = arith.muli %add3A_131, %mul3A_132 : i32
      %get3A = arith.index_cast %mul3A_133 : i32 to index
      %get3A_134 = tpu.vector_load %arg5[%get3A] {strides = array<i32>} : memref<32768xf32, #tpu.memory_space<vmem>>, vector<16xf32>,
      %get3A_135 = vector.shape_cast %get3A_134 : vector<16xf32> to vector<16xf32>
      %get3A_136 = arith.index_cast %mul3A_133 : i32 to index
      %get3A_137 = tpu.vector_load %arg6[%get3A_136] {strides = array<i32>} : memref<32768xi32, #tpu.memory_space<vmem>>, vector<16xi32>,
      %get3A_138 = vector.shape_cast %get3A_137 : vector<16xi32> to vector<16xi32>
      %eq3A = arith.constant 1 : i32
      %eq3A_139 = vector.broadcast %eq3A : i32 to vector<16xi32>
      %eq3A_140 = arith.cmpi eq, %get3A_138, %eq3A_139 : vector<16xi32>
      %broadcast_in_dim3A_141 = vector.broadcast %scan3A_56 : f32 to vector<16xf32>
      %select_n3A_142 = arith.select %eq3A_140, %get3A_135, %broadcast_in_dim3A_141 : vector<16xi1>, vector<16xf32>
      %sub3A = vector.broadcast %max3A_53 : f32 to vector<16xf32>
      %sub3A_143 = arith.subf %select_n3A_142, %sub3A : vector<16xf32>
      %exp3A = math.exp %sub3A_143 : vector<16xf32>
      %swap3A = arith.index_cast %mul3A_133 : i32 to index
      %swap3A_144 = tpu.vector_load %arg7[%swap3A] {strides = array<i32>} : memref<32768xf32, #tpu.memory_space<vmem>>, vector<16xf32>,
      %swap3A_145 = vector.shape_cast %swap3A_144 : vector<16xf32> to vector<16xf32>
      %swap3A_146 = vector.shape_cast %exp3A : vector<16xf32> to vector<16xf32>
      tpu.vector_store %arg7[%swap3A], %swap3A_146 {strides = array<i32>} : memref<32768xf32, #tpu.memory_space<vmem>>, vector<16xf32>,
      %add3A_147 = arith.addf %scan3A_127, %exp3A : vector<16xf32>
      %mul3A_148 = arith.constant 8 : i32
      %mul3A_149 = arith.muli %scan3A_126, %mul3A_148 : i32
      %add3A_150 = arith.constant 1 : i32
      %add3A_151 = arith.addi %mul3A_149, %add3A_150 : i32
      %mul3A_152 = arith.constant 16 : i32
      %mul3A_153 = arith.muli %add3A_151, %mul3A_152 : i32
      %get3A_154 = arith.index_cast %mul3A_153 : i32 to index
      %get3A_155 = tpu.vector_load %arg5[%get3A_154] {strides = array<i32>} : memref<32768xf32, #tpu.memory_space<vmem>>, vector<16xf32>,
      %get3A_156 = vector.shape_cast %get3A_155 : vector<16xf32> to vector<16xf32>
      %get3A_157 = arith.index_cast %mul3A_153 : i32 to index
      %get3A_158 = tpu.vector_load %arg6[%get3A_157] {strides = array<i32>} : memref<32768xi32, #tpu.memory_space<vmem>>, vector<16xi32>,
      %get3A_159 = vector.shape_cast %get3A_158 : vector<16xi32> to vector<16xi32>
      %eq3A_160 = arith.constant 1 : i32
      %eq3A_161 = vector.broadcast %eq3A_160 : i32 to vector<16xi32>
      %eq3A_162 = arith.cmpi eq, %get3A_159, %eq3A_161 : vector<16xi32>
      %broadcast_in_dim3A_163 = vector.broadcast %scan3A_56 : f32 to vector<16xf32>
      %select_n3A_164 = arith.select %eq3A_162, %get3A_156, %broadcast_in_dim3A_163 : vector<16xi1>, vector<16xf32>
      %sub3A_165 = vector.broadcast %max3A_53 : f32 to vector<16xf32>
      %sub3A_166 = arith.subf %select_n3A_164, %sub3A_165 : vector<16xf32>
      %exp3A_167 = math.exp %sub3A_166 : vector<16xf32>
      %swap3A_168 = arith.index_cast %mul3A_153 : i32 to index
      %swap3A_169 = tpu.vector_load %arg7[%swap3A_168] {strides = array<i32>} : memref<32768xf32, #tpu.memory_space<vmem>>, vector<16xf32>,
      %swap3A_170 = vector.shape_cast %swap3A_169 : vector<16xf32> to vector<16xf32>
      %swap3A_171 = vector.shape_cast %exp3A_167 : vector<16xf32> to vector<16xf32>
      tpu.vector_store %arg7[%swap3A_168], %swap3A_171 {strides = array<i32>} : memref<32768xf32, #tpu.memory_space<vmem>>, vector<16xf32>,
      %add3A_172 = arith.addf %add3A_147, %exp3A_167 : vector<16xf32>
      %mul3A_173 = arith.constant 8 : i32
      %mul3A_174 = arith.muli %scan3A_126, %mul3A_173 : i32
      %add3A_175 = arith.constant 2 : i32
      %add3A_176 = arith.addi %mul3A_174, %add3A_175 : i32
      %mul3A_177 = arith.constant 16 : i32
      %mul3A_178 = arith.muli %add3A_176, %mul3A_177 : i32
      %get3A_179 = arith.index_cast %mul3A_178 : i32 to index
      %get3A_180 = tpu.vector_load %arg5[%get3A_179] {strides = array<i32>} : memref<32768xf32, #tpu.memory_space<vmem>>, vector<16xf32>,
      %get3A_181 = vector.shape_cast %get3A_180 : vector<16xf32> to vector<16xf32>
      %get3A_182 = arith.index_cast %mul3A_178 : i32 to index
      %get3A_183 = tpu.vector_load %arg6[%get3A_182] {strides = array<i32>} : memref<32768xi32, #tpu.memory_space<vmem>>, vector<16xi32>,
      %get3A_184 = vector.shape_cast %get3A_183 : vector<16xi32> to vector<16xi32>
      %eq3A_185 = arith.constant 1 : i32
      %eq3A_186 = vector.broadcast %eq3A_185 : i32 to vector<16xi32>
      %eq3A_187 = arith.cmpi eq, %get3A_184, %eq3A_186 : vector<16xi32>
      %broadcast_in_dim3A_188 = vector.broadcast %scan3A_56 : f32 to vector<16xf32>
      %select_n3A_189 = arith.select %eq3A_187, %get3A_181, %broadcast_in_dim3A_188 : vector<16xi1>, vector<16xf32>
      %sub3A_190 = vector.broadcast %max3A_53 : f32 to vector<16xf32>
      %sub3A_191 = arith.subf %select_n3A_189, %sub3A_190 : vector<16xf32>
      %exp3A_192 = math.exp %sub3A_191 : vector<16xf32>
      %swap3A_193 = arith.index_cast %mul3A_178 : i32 to index
      %swap3A_194 = tpu.vector_load %arg7[%swap3A_193] {strides = array<i32>} : memref<32768xf32, #tpu.memory_space<vmem>>, vector<16xf32>,
      %swap3A_195 = vector.shape_cast %swap3A_194 : vector<16xf32> to vector<16xf32>
      %swap3A_196 = vector.shape_cast %exp3A_192 : vector<16xf32> to vector<16xf32>
      tpu.vector_store %arg7[%swap3A_193], %swap3A_196 {strides = array<i32>} : memref<32768xf32, #tpu.memory_space<vmem>>, vector<16xf32>,
      %add3A_197 = arith.addf %add3A_172, %exp3A_192 : vector<16xf32>
      %mul3A_198 = arith.constant 8 : i32
      %mul3A_199 = arith.muli %scan3A_126, %mul3A_198 : i32
      %add3A_200 = arith.constant 3 : i32
      %add3A_201 = arith.addi %mul3A_199, %add3A_200 : i32
      %mul3A_202 = arith.constant 16 : i32
      %mul3A_203 = arith.muli %add3A_201, %mul3A_202 : i32
      %get3A_204 = arith.index_cast %mul3A_203 : i32 to index
      %get3A_205 = tpu.vector_load %arg5[%get3A_204] {strides = array<i32>} : memref<32768xf32, #tpu.memory_space<vmem>>, vector<16xf32>,
      %get3A_206 = vector.shape_cast %get3A_205 : vector<16xf32> to vector<16xf32>
      %get3A_207 = arith.index_cast %mul3A_203 : i32 to index
      %get3A_208 = tpu.vector_load %arg6[%get3A_207] {strides = array<i32>} : memref<32768xi32, #tpu.memory_space<vmem>>, vector<16xi32>,
      %get3A_209 = vector.shape_cast %get3A_208 : vector<16xi32> to vector<16xi32>
      %eq3A_210 = arith.constant 1 : i32
      %eq3A_211 = vector.broadcast %eq3A_210 : i32 to vector<16xi32>
      %eq3A_212 = arith.cmpi eq, %get3A_209, %eq3A_211 : vector<16xi32>
      %broadcast_in_dim3A_213 = vector.broadcast %scan3A_56 : f32 to vector<16xf32>
      %select_n3A_214 = arith.select %eq3A_212, %get3A_206, %broadcast_in_dim3A_213 : vector<16xi1>, vector<16xf32>
      %sub3A_215 = vector.broadcast %max3A_53 : f32 to vector<16xf32>
      %sub3A_216 = arith.subf %select_n3A_214, %sub3A_215 : vector<16xf32>
      %exp3A_217 = math.exp %sub3A_216 : vector<16xf32>
      %swap3A_218 = arith.index_cast %mul3A_203 : i32 to index
      %swap3A_219 = tpu.vector_load %arg7[%swap3A_218] {strides = array<i32>} : memref<32768xf32, #tpu.memory_space<vmem>>, vector<16xf32>,
      %swap3A_220 = vector.shape_cast %swap3A_219 : vector<16xf32> to vector<16xf32>
      %swap3A_221 = vector.shape_cast %exp3A_217 : vector<16xf32> to vector<16xf32>
      tpu.vector_store %arg7[%swap3A_218], %swap3A_221 {strides = array<i32>} : memref<32768xf32, #tpu.memory_space<vmem>>, vector<16xf32>,
      %add3A_222 = arith.addf %add3A_197, %exp3A_217 : vector<16xf32>
      %mul3A_223 = arith.constant 8 : i32
      %mul3A_224 = arith.muli %scan3A_126, %mul3A_223 : i32
      %add3A_225 = arith.constant 4 : i32
      %add3A_226 = arith.addi %mul3A_224, %add3A_225 : i32
      %mul3A_227 = arith.constant 16 : i32
      %mul3A_228 = arith.muli %add3A_226, %mul3A_227 : i32
      %get3A_229 = arith.index_cast %mul3A_228 : i32 to index
      %get3A_230 = tpu.vector_load %arg5[%get3A_229] {strides = array<i32>} : memref<32768xf32, #tpu.memory_space<vmem>>, vector<16xf32>,
      %get3A_231 = vector.shape_cast %get3A_230 : vector<16xf32> to vector<16xf32>
      %get3A_232 = arith.index_cast %mul3A_228 : i32 to index
      %get3A_233 = tpu.vector_load %arg6[%get3A_232] {strides = array<i32>} : memref<32768xi32, #tpu.memory_space<vmem>>, vector<16xi32>,
      %get3A_234 = vector.shape_cast %get3A_233 : vector<16xi32> to vector<16xi32>
      %eq3A_235 = arith.constant 1 : i32
      %eq3A_236 = vector.broadcast %eq3A_235 : i32 to vector<16xi32>
      %eq3A_237 = arith.cmpi eq, %get3A_234, %eq3A_236 : vector<16xi32>
      %broadcast_in_dim3A_238 = vector.broadcast %scan3A_56 : f32 to vector<16xf32>
      %select_n3A_239 = arith.select %eq3A_237, %get3A_231, %broadcast_in_dim3A_238 : vector<16xi1>, vector<16xf32>
      %sub3A_240 = vector.broadcast %max3A_53 : f32 to vector<16xf32>
      %sub3A_241 = arith.subf %select_n3A_239, %sub3A_240 : vector<16xf32>
      %exp3A_242 = math.exp %sub3A_241 : vector<16xf32>
      %swap3A_243 = arith.index_cast %mul3A_228 : i32 to index
      %swap3A_244 = tpu.vector_load %arg7[%swap3A_243] {strides = array<i32>} : memref<32768xf32, #tpu.memory_space<vmem>>, vector<16xf32>,
      %swap3A_245 = vector.shape_cast %swap3A_244 : vector<16xf32> to vector<16xf32>
      %swap3A_246 = vector.shape_cast %exp3A_242 : vector<16xf32> to vector<16xf32>
      tpu.vector_store %arg7[%swap3A_243], %swap3A_246 {strides = array<i32>} : memref<32768xf32, #tpu.memory_space<vmem>>, vector<16xf32>,
      %add3A_247 = arith.addf %add3A_222, %exp3A_242 : vector<16xf32>
      %mul3A_248 = arith.constant 8 : i32
      %mul3A_249 = arith.muli %scan3A_126, %mul3A_248 : i32
      %add3A_250 = arith.constant 5 : i32
      %add3A_251 = arith.addi %mul3A_249, %add3A_250 : i32
      %mul3A_252 = arith.constant 16 : i32
      %mul3A_253 = arith.muli %add3A_251, %mul3A_252 : i32
      %get3A_254 = arith.index_cast %mul3A_253 : i32 to index
      %get3A_255 = tpu.vector_load %arg5[%get3A_254] {strides = array<i32>} : memref<32768xf32, #tpu.memory_space<vmem>>, vector<16xf32>,
      %get3A_256 = vector.shape_cast %get3A_255 : vector<16xf32> to vector<16xf32>
      %get3A_257 = arith.index_cast %mul3A_253 : i32 to index
      %get3A_258 = tpu.vector_load %arg6[%get3A_257] {strides = array<i32>} : memref<32768xi32, #tpu.memory_space<vmem>>, vector<16xi32>,
      %get3A_259 = vector.shape_cast %get3A_258 : vector<16xi32> to vector<16xi32>
      %eq3A_260 = arith.constant 1 : i32
      %eq3A_261 = vector.broadcast %eq3A_260 : i32 to vector<16xi32>
      %eq3A_262 = arith.cmpi eq, %get3A_259, %eq3A_261 : vector<16xi32>
      %broadcast_in_dim3A_263 = vector.broadcast %scan3A_56 : f32 to vector<16xf32>
      %select_n3A_264 = arith.select %eq3A_262, %get3A_256, %broadcast_in_dim3A_263 : vector<16xi1>, vector<16xf32>
      %sub3A_265 = vector.broadcast %max3A_53 : f32 to vector<16xf32>
      %sub3A_266 = arith.subf %select_n3A_264, %sub3A_265 : vector<16xf32>
      %exp3A_267 = math.exp %sub3A_266 : vector<16xf32>
      %swap3A_268 = arith.index_cast %mul3A_253 : i32 to index
      %swap3A_269 = tpu.vector_load %arg7[%swap3A_268] {strides = array<i32>} : memref<32768xf32, #tpu.memory_space<vmem>>, vector<16xf32>,
      %swap3A_270 = vector.shape_cast %swap3A_269 : vector<16xf32> to vector<16xf32>
      %swap3A_271 = vector.shape_cast %exp3A_267 : vector<16xf32> to vector<16xf32>
      tpu.vector_store %arg7[%swap3A_268], %swap3A_271 {strides = array<i32>} : memref<32768xf32, #tpu.memory_space<vmem>>, vector<16xf32>,
      %add3A_272 = arith.addf %add3A_247, %exp3A_267 : vector<16xf32>
      %mul3A_273 = arith.constant 8 : i32
      %mul3A_274 = arith.muli %scan3A_126, %mul3A_273 : i32
      %add3A_275 = arith.constant 6 : i32
      %add3A_276 = arith.addi %mul3A_274, %add3A_275 : i32
      %mul3A_277 = arith.constant 16 : i32
      %mul3A_278 = arith.muli %add3A_276, %mul3A_277 : i32
      %get3A_279 = arith.index_cast %mul3A_278 : i32 to index
      %get3A_280 = tpu.vector_load %arg5[%get3A_279] {strides = array<i32>} : memref<32768xf32, #tpu.memory_space<vmem>>, vector<16xf32>,
      %get3A_281 = vector.shape_cast %get3A_280 : vector<16xf32> to vector<16xf32>
      %get3A_282 = arith.index_cast %mul3A_278 : i32 to index
      %get3A_283 = tpu.vector_load %arg6[%get3A_282] {strides = array<i32>} : memref<32768xi32, #tpu.memory_space<vmem>>, vector<16xi32>,
      %get3A_284 = vector.shape_cast %get3A_283 : vector<16xi32> to vector<16xi32>
      %eq3A_285 = arith.constant 1 : i32
      %eq3A_286 = vector.broadcast %eq3A_285 : i32 to vector<16xi32>
      %eq3A_287 = arith.cmpi eq, %get3A_284, %eq3A_286 : vector<16xi32>
      %broadcast_in_dim3A_288 = vector.broadcast %scan3A_56 : f32 to vector<16xf32>
      %select_n3A_289 = arith.select %eq3A_287, %get3A_281, %broadcast_in_dim3A_288 : vector<16xi1>, vector<16xf32>
      %sub3A_290 = vector.broadcast %max3A_53 : f32 to vector<16xf32>
      %sub3A_291 = arith.subf %select_n3A_289, %sub3A_290 : vector<16xf32>
      %exp3A_292 = math.exp %sub3A_291 : vector<16xf32>
      %swap3A_293 = arith.index_cast %mul3A_278 : i32 to index
      %swap3A_294 = tpu.vector_load %arg7[%swap3A_293] {strides = array<i32>} : memref<32768xf32, #tpu.memory_space<vmem>>, vector<16xf32>,
      %swap3A_295 = vector.shape_cast %swap3A_294 : vector<16xf32> to vector<16xf32>
      %swap3A_296 = vector.shape_cast %exp3A_292 : vector<16xf32> to vector<16xf32>
      tpu.vector_store %arg7[%swap3A_293], %swap3A_296 {strides = array<i32>} : memref<32768xf32, #tpu.memory_space<vmem>>, vector<16xf32>,
      %add3A_297 = arith.addf %add3A_272, %exp3A_292 : vector<16xf32>
      %mul3A_298 = arith.constant 8 : i32
      %mul3A_299 = arith.muli %scan3A_126, %mul3A_298 : i32
      %add3A_300 = arith.constant 7 : i32
      %add3A_301 = arith.addi %mul3A_299, %add3A_300 : i32
      %mul3A_302 = arith.constant 16 : i32
      %mul3A_303 = arith.muli %add3A_301, %mul3A_302 : i32
      %get3A_304 = arith.index_cast %mul3A_303 : i32 to index
      %get3A_305 = tpu.vector_load %arg5[%get3A_304] {strides = array<i32>} : memref<32768xf32, #tpu.memory_space<vmem>>, vector<16xf32>,
      %get3A_306 = vector.shape_cast %get3A_305 : vector<16xf32> to vector<16xf32>
      %get3A_307 = arith.index_cast %mul3A_303 : i32 to index
      %get3A_308 = tpu.vector_load %arg6[%get3A_307] {strides = array<i32>} : memref<32768xi32, #tpu.memory_space<vmem>>, vector<16xi32>,
      %get3A_309 = vector.shape_cast %get3A_308 : vector<16xi32> to vector<16xi32>
      %eq3A_310 = arith.constant 1 : i32
      %eq3A_311 = vector.broadcast %eq3A_310 : i32 to vector<16xi32>
      %eq3A_312 = arith.cmpi eq, %get3A_309, %eq3A_311 : vector<16xi32>
      %broadcast_in_dim3A_313 = vector.broadcast %scan3A_56 : f32 to vector<16xf32>
      %select_n3A_314 = arith.select %eq3A_312, %get3A_306, %broadcast_in_dim3A_313 : vector<16xi1>, vector<16xf32>
      %sub3A_315 = vector.broadcast %max3A_53 : f32 to vector<16xf32>
      %sub3A_316 = arith.subf %select_n3A_314, %sub3A_315 : vector<16xf32>
      %exp3A_317 = math.exp %sub3A_316 : vector<16xf32>
      %swap3A_318 = arith.index_cast %mul3A_303 : i32 to index
      %swap3A_319 = tpu.vector_load %arg7[%swap3A_318] {strides = array<i32>} : memref<32768xf32, #tpu.memory_space<vmem>>, vector<16xf32>,
      %swap3A_320 = vector.shape_cast %swap3A_319 : vector<16xf32> to vector<16xf32>
      %swap3A_321 = vector.shape_cast %exp3A_317 : vector<16xf32> to vector<16xf32>
      tpu.vector_store %arg7[%swap3A_318], %swap3A_321 {strides = array<i32>} : memref<32768xf32, #tpu.memory_space<vmem>>, vector<16xf32>,
      %add3A_322 = arith.addf %add3A_297, %exp3A_317 : vector<16xf32>
      scf.yield %add3A_322 : vector<16xf32>
    }
    %scan3A_62 = arith.constant 256 : i32
    %slice3A_63 = vector.extract_strided_slice %scan3A_61 {offsets = [0], sizes = [1], strides = [1]} : vector<16xf32> to vector<1xf32>
    %squeeze3A_64 = vector.extract %slice3A_63[0] : f32 from vector<1xf32>
    %slice3A_65 = vector.extract_strided_slice %scan3A_61 {offsets = [1], sizes = [1], strides = [1]} : vector<16xf32> to vector<1xf32>
    %squeeze3A_66 = vector.extract %slice3A_65[0] : f32 from vector<1xf32>
    %add3A_67 = arith.addf %squeeze3A_64, %squeeze3A_66 : f32
    %slice3A_68 = vector.extract_strided_slice %scan3A_61 {offsets = [2], sizes = [1], strides = [1]} : vector<16xf32> to vector<1xf32>
    %squeeze3A_69 = vector.extract %slice3A_68[0] : f32 from vector<1xf32>
    %add3A_70 = arith.addf %add3A_67, %squeeze3A_69 : f32
    %slice3A_71 = vector.extract_strided_slice %scan3A_61 {offsets = [3], sizes = [1], strides = [1]} : vector<16xf32> to vector<1xf32>
    %squeeze3A_72 = vector.extract %slice3A_71[0] : f32 from vector<1xf32>
    %add3A_73 = arith.addf %add3A_70, %squeeze3A_72 : f32
    %slice3A_74 = vector.extract_strided_slice %scan3A_61 {offsets = [4], sizes = [1], strides = [1]} : vector<16xf32> to vector<1xf32>
    %squeeze3A_75 = vector.extract %slice3A_74[0] : f32 from vector<1xf32>
    %add3A_76 = arith.addf %add3A_73, %squeeze3A_75 : f32
    %slice3A_77 = vector.extract_strided_slice %scan3A_61 {offsets = [5], sizes = [1], strides = [1]} : vector<16xf32> to vector<1xf32>
    %squeeze3A_78 = vector.extract %slice3A_77[0] : f32 from vector<1xf32>
    %add3A_79 = arith.addf %add3A_76, %squeeze3A_78 : f32
    %slice3A_80 = vector.extract_strided_slice %scan3A_61 {offsets = [6], sizes = [1], strides = [1]} : vector<16xf32> to vector<1xf32>
    %squeeze3A_81 = vector.extract %slice3A_80[0] : f32 from vector<1xf32>
    %add3A_82 = arith.addf %add3A_79, %squeeze3A_81 : f32
    %slice3A_83 = vector.extract_strided_slice %scan3A_61 {offsets = [7], sizes = [1], strides = [1]} : vector<16xf32> to vector<1xf32>
    %squeeze3A_84 = vector.extract %slice3A_83[0] : f32 from vector<1xf32>
    %add3A_85 = arith.addf %add3A_82, %squeeze3A_84 : f32
    %slice3A_86 = vector.extract_strided_slice %scan3A_61 {offsets = [8], sizes = [1], strides = [1]} : vector<16xf32> to vector<1xf32>
    %squeeze3A_87 = vector.extract %slice3A_86[0] : f32 from vector<1xf32>
    %add3A_88 = arith.addf %add3A_85, %squeeze3A_87 : f32
    %slice3A_89 = vector.extract_strided_slice %scan3A_61 {offsets = [9], sizes = [1], strides = [1]} : vector<16xf32> to vector<1xf32>
    %squeeze3A_90 = vector.extract %slice3A_89[0] : f32 from vector<1xf32>
    %add3A_91 = arith.addf %add3A_88, %squeeze3A_90 : f32
    %slice3A_92 = vector.extract_strided_slice %scan3A_61 {offsets = [10], sizes = [1], strides = [1]} : vector<16xf32> to vector<1xf32>
    %squeeze3A_93 = vector.extract %slice3A_92[0] : f32 from vector<1xf32>
    %add3A_94 = arith.addf %add3A_91, %squeeze3A_93 : f32
    %slice3A_95 = vector.extract_strided_slice %scan3A_61 {offsets = [11], sizes = [1], strides = [1]} : vector<16xf32> to vector<1xf32>
    %squeeze3A_96 = vector.extract %slice3A_95[0] : f32 from vector<1xf32>
    %add3A_97 = arith.addf %add3A_94, %squeeze3A_96 : f32
    %slice3A_98 = vector.extract_strided_slice %scan3A_61 {offsets = [12], sizes = [1], strides = [1]} : vector<16xf32> to vector<1xf32>
    %squeeze3A_99 = vector.extract %slice3A_98[0] : f32 from vector<1xf32>
    %add3A_100 = arith.addf %add3A_97, %squeeze3A_99 : f32
    %slice3A_101 = vector.extract_strided_slice %scan3A_61 {offsets = [13], sizes = [1], strides = [1]} : vector<16xf32> to vector<1xf32>
    %squeeze3A_102 = vector.extract %slice3A_101[0] : f32 from vector<1xf32>
    %add3A_103 = arith.addf %add3A_100, %squeeze3A_102 : f32
    %slice3A_104 = vector.extract_strided_slice %scan3A_61 {offsets = [14], sizes = [1], strides = [1]} : vector<16xf32> to vector<1xf32>
    %squeeze3A_105 = vector.extract %slice3A_104[0] : f32 from vector<1xf32>
    %add3A_106 = arith.addf %add3A_103, %squeeze3A_105 : f32
    %slice3A_107 = vector.extract_strided_slice %scan3A_61 {offsets = [15], sizes = [1], strides = [1]} : vector<16xf32> to vector<1xf32>
    %squeeze3A_108 = vector.extract %slice3A_107[0] : f32 from vector<1xf32>
    %add3A_109 = arith.addf %add3A_106, %squeeze3A_108 : f32
    %broadcast_in_dim3A_110 = vector.broadcast %add3A_109 : f32 to vector<16xf32>
    %broadcast_in_dim3A_111 = vector.broadcast %max3A_53 : f32 to vector<16xf32>
    %gt3A = arith.constant -3.40282347E+38 : f32
    %gt3A_112 = vector.broadcast %gt3A : f32 to vector<16xf32>
    %gt3A_113 = arith.cmpf ogt, %broadcast_in_dim3A_111, %gt3A_112 : vector<16xf32>
    %max3A_114 = arith.constant 1.000000e-30 : f32
    %max3A_115 = vector.broadcast %max3A_114 : f32 to vector<16xf32>
    %max3A_116 = arith.maximumf %broadcast_in_dim3A_110, %max3A_115 : vector<16xf32>
    %div3A = arith.constant 1.000000e+00 : f32
    %div3A_117 = vector.broadcast %div3A : f32 to vector<16xf32>
    %div3A_118 = arith.divf %div3A_117, %max3A_116 : vector<16xf32>
    %jit3A = arith.constant 0.000000e+00 : f32
    %broadcast_in_dim3A_119 = vector.broadcast %jit3A : f32 to vector<16xf32>
    %select_n3A = arith.select %gt3A_113, %div3A_118, %broadcast_in_dim3A_119 : vector<16xi1>, vector<16xf32>
    %scan3A_120 = arith.constant 0 : i32
    %scan3A_121 = arith.constant 0 : i32
    %scan3A_122 = arith.constant 256 : i32
    %scan3A_123 = arith.addi %scan3A_121, %scan3A_122 : i32
    %scan3A_124 = arith.constant 1 : i32
    scf.for %scan3A_126 = %scan3A_121 to %scan3A_123 step %scan3A_124  : i32 {
      %mul3A_127 = arith.constant 8 : i32
      %mul3A_128 = arith.muli %scan3A_126, %mul3A_127 : i32
      %add3A_129 = arith.constant 0 : i32
      %add3A_130 = arith.addi %mul3A_128, %add3A_129 : i32
      %mul3A_131 = arith.constant 16 : i32
      %mul3A_132 = arith.muli %add3A_130, %mul3A_131 : i32
      %get3A = arith.index_cast %mul3A_132 : i32 to index
      %get3A_133 = tpu.vector_load %arg7[%get3A] {strides = array<i32>} : memref<32768xf32, #tpu.memory_space<vmem>>, vector<16xf32>,
      %get3A_134 = vector.shape_cast %get3A_133 : vector<16xf32> to vector<16xf32>
      %mul3A_135 = arith.mulf %get3A_134, %select_n3A : vector<16xf32>
      %swap3A = arith.index_cast %mul3A_132 : i32 to index
      %swap3A_136 = tpu.vector_load %arg7[%swap3A] {strides = array<i32>} : memref<32768xf32, #tpu.memory_space<vmem>>, vector<16xf32>,
      %swap3A_137 = vector.shape_cast %swap3A_136 : vector<16xf32> to vector<16xf32>
      %swap3A_138 = vector.shape_cast %mul3A_135 : vector<16xf32> to vector<16xf32>
      tpu.vector_store %arg7[%swap3A], %swap3A_138 {strides = array<i32>} : memref<32768xf32, #tpu.memory_space<vmem>>, vector<16xf32>,
      %mul3A_139 = arith.constant 8 : i32
      %mul3A_140 = arith.muli %scan3A_126, %mul3A_139 : i32
      %add3A_141 = arith.constant 1 : i32
      %add3A_142 = arith.addi %mul3A_140, %add3A_141 : i32
      %mul3A_143 = arith.constant 16 : i32
      %mul3A_144 = arith.muli %add3A_142, %mul3A_143 : i32
      %get3A_145 = arith.index_cast %mul3A_144 : i32 to index
      %get3A_146 = tpu.vector_load %arg7[%get3A_145] {strides = array<i32>} : memref<32768xf32, #tpu.memory_space<vmem>>, vector<16xf32>,
      %get3A_147 = vector.shape_cast %get3A_146 : vector<16xf32> to vector<16xf32>
      %mul3A_148 = arith.mulf %get3A_147, %select_n3A : vector<16xf32>
      %swap3A_149 = arith.index_cast %mul3A_144 : i32 to index
      %swap3A_150 = tpu.vector_load %arg7[%swap3A_149] {strides = array<i32>} : memref<32768xf32, #tpu.memory_space<vmem>>, vector<16xf32>,
      %swap3A_151 = vector.shape_cast %swap3A_150 : vector<16xf32> to vector<16xf32>
      %swap3A_152 = vector.shape_cast %mul3A_148 : vector<16xf32> to vector<16xf32>
      tpu.vector_store %arg7[%swap3A_149], %swap3A_152 {strides = array<i32>} : memref<32768xf32, #tpu.memory_space<vmem>>, vector<16xf32>,
      %mul3A_153 = arith.constant 8 : i32
      %mul3A_154 = arith.muli %scan3A_126, %mul3A_153 : i32
      %add3A_155 = arith.constant 2 : i32
      %add3A_156 = arith.addi %mul3A_154, %add3A_155 : i32
      %mul3A_157 = arith.constant 16 : i32
      %mul3A_158 = arith.muli %add3A_156, %mul3A_157 : i32
      %get3A_159 = arith.index_cast %mul3A_158 : i32 to index
      %get3A_160 = tpu.vector_load %arg7[%get3A_159] {strides = array<i32>} : memref<32768xf32, #tpu.memory_space<vmem>>, vector<16xf32>,
      %get3A_161 = vector.shape_cast %get3A_160 : vector<16xf32> to vector<16xf32>
      %mul3A_162 = arith.mulf %get3A_161, %select_n3A : vector<16xf32>
      %swap3A_163 = arith.index_cast %mul3A_158 : i32 to index
      %swap3A_164 = tpu.vector_load %arg7[%swap3A_163] {strides = array<i32>} : memref<32768xf32, #tpu.memory_space<vmem>>, vector<16xf32>,
      %swap3A_165 = vector.shape_cast %swap3A_164 : vector<16xf32> to vector<16xf32>
      %swap3A_166 = vector.shape_cast %mul3A_162 : vector<16xf32> to vector<16xf32>
      tpu.vector_store %arg7[%swap3A_163], %swap3A_166 {strides = array<i32>} : memref<32768xf32, #tpu.memory_space<vmem>>, vector<16xf32>,
      %mul3A_167 = arith.constant 8 : i32
      %mul3A_168 = arith.muli %scan3A_126, %mul3A_167 : i32
      %add3A_169 = arith.constant 3 : i32
      %add3A_170 = arith.addi %mul3A_168, %add3A_169 : i32
      %mul3A_171 = arith.constant 16 : i32
      %mul3A_172 = arith.muli %add3A_170, %mul3A_171 : i32
      %get3A_173 = arith.index_cast %mul3A_172 : i32 to index
      %get3A_174 = tpu.vector_load %arg7[%get3A_173] {strides = array<i32>} : memref<32768xf32, #tpu.memory_space<vmem>>, vector<16xf32>,
      %get3A_175 = vector.shape_cast %get3A_174 : vector<16xf32> to vector<16xf32>
      %mul3A_176 = arith.mulf %get3A_175, %select_n3A : vector<16xf32>
      %swap3A_177 = arith.index_cast %mul3A_172 : i32 to index
      %swap3A_178 = tpu.vector_load %arg7[%swap3A_177] {strides = array<i32>} : memref<32768xf32, #tpu.memory_space<vmem>>, vector<16xf32>,
      %swap3A_179 = vector.shape_cast %swap3A_178 : vector<16xf32> to vector<16xf32>
      %swap3A_180 = vector.shape_cast %mul3A_176 : vector<16xf32> to vector<16xf32>
      tpu.vector_store %arg7[%swap3A_177], %swap3A_180 {strides = array<i32>} : memref<32768xf32, #tpu.memory_space<vmem>>, vector<16xf32>,
      %mul3A_181 = arith.constant 8 : i32
      %mul3A_182 = arith.muli %scan3A_126, %mul3A_181 : i32
      %add3A_183 = arith.constant 4 : i32
      %add3A_184 = arith.addi %mul3A_182, %add3A_183 : i32
      %mul3A_185 = arith.constant 16 : i32
      %mul3A_186 = arith.muli %add3A_184, %mul3A_185 : i32
      %get3A_187 = arith.index_cast %mul3A_186 : i32 to index
      %get3A_188 = tpu.vector_load %arg7[%get3A_187] {strides = array<i32>} : memref<32768xf32, #tpu.memory_space<vmem>>, vector<16xf32>,
      %get3A_189 = vector.shape_cast %get3A_188 : vector<16xf32> to vector<16xf32>
      %mul3A_190 = arith.mulf %get3A_189, %select_n3A : vector<16xf32>
      %swap3A_191 = arith.index_cast %mul3A_186 : i32 to index
      %swap3A_192 = tpu.vector_load %arg7[%swap3A_191] {strides = array<i32>} : memref<32768xf32, #tpu.memory_space<vmem>>, vector<16xf32>,
      %swap3A_193 = vector.shape_cast %swap3A_192 : vector<16xf32> to vector<16xf32>
      %swap3A_194 = vector.shape_cast %mul3A_190 : vector<16xf32> to vector<16xf32>
      tpu.vector_store %arg7[%swap3A_191], %swap3A_194 {strides = array<i32>} : memref<32768xf32, #tpu.memory_space<vmem>>, vector<16xf32>,
      %mul3A_195 = arith.constant 8 : i32
      %mul3A_196 = arith.muli %scan3A_126, %mul3A_195 : i32
      %add3A_197 = arith.constant 5 : i32
      %add3A_198 = arith.addi %mul3A_196, %add3A_197 : i32
      %mul3A_199 = arith.constant 16 : i32
      %mul3A_200 = arith.muli %add3A_198, %mul3A_199 : i32
      %get3A_201 = arith.index_cast %mul3A_200 : i32 to index
      %get3A_202 = tpu.vector_load %arg7[%get3A_201] {strides = array<i32>} : memref<32768xf32, #tpu.memory_space<vmem>>, vector<16xf32>,
      %get3A_203 = vector.shape_cast %get3A_202 : vector<16xf32> to vector<16xf32>
      %mul3A_204 = arith.mulf %get3A_203, %select_n3A : vector<16xf32>
      %swap3A_205 = arith.index_cast %mul3A_200 : i32 to index
      %swap3A_206 = tpu.vector_load %arg7[%swap3A_205] {strides = array<i32>} : memref<32768xf32, #tpu.memory_space<vmem>>, vector<16xf32>,
      %swap3A_207 = vector.shape_cast %swap3A_206 : vector<16xf32> to vector<16xf32>
      %swap3A_208 = vector.shape_cast %mul3A_204 : vector<16xf32> to vector<16xf32>
      tpu.vector_store %arg7[%swap3A_205], %swap3A_208 {strides = array<i32>} : memref<32768xf32, #tpu.memory_space<vmem>>, vector<16xf32>,
      %mul3A_209 = arith.constant 8 : i32
      %mul3A_210 = arith.muli %scan3A_126, %mul3A_209 : i32
      %add3A_211 = arith.constant 6 : i32
      %add3A_212 = arith.addi %mul3A_210, %add3A_211 : i32
      %mul3A_213 = arith.constant 16 : i32
      %mul3A_214 = arith.muli %add3A_212, %mul3A_213 : i32
      %get3A_215 = arith.index_cast %mul3A_214 : i32 to index
      %get3A_216 = tpu.vector_load %arg7[%get3A_215] {strides = array<i32>} : memref<32768xf32, #tpu.memory_space<vmem>>, vector<16xf32>,
      %get3A_217 = vector.shape_cast %get3A_216 : vector<16xf32> to vector<16xf32>
      %mul3A_218 = arith.mulf %get3A_217, %select_n3A : vector<16xf32>
      %swap3A_219 = arith.index_cast %mul3A_214 : i32 to index
      %swap3A_220 = tpu.vector_load %arg7[%swap3A_219] {strides = array<i32>} : memref<32768xf32, #tpu.memory_space<vmem>>, vector<16xf32>,
      %swap3A_221 = vector.shape_cast %swap3A_220 : vector<16xf32> to vector<16xf32>
      %swap3A_222 = vector.shape_cast %mul3A_218 : vector<16xf32> to vector<16xf32>
      tpu.vector_store %arg7[%swap3A_219], %swap3A_222 {strides = array<i32>} : memref<32768xf32, #tpu.memory_space<vmem>>, vector<16xf32>,
      %mul3A_223 = arith.constant 8 : i32
      %mul3A_224 = arith.muli %scan3A_126, %mul3A_223 : i32
      %add3A_225 = arith.constant 7 : i32
      %add3A_226 = arith.addi %mul3A_224, %add3A_225 : i32
      %mul3A_227 = arith.constant 16 : i32
      %mul3A_228 = arith.muli %add3A_226, %mul3A_227 : i32
      %get3A_229 = arith.index_cast %mul3A_228 : i32 to index
      %get3A_230 = tpu.vector_load %arg7[%get3A_229] {strides = array<i32>} : memref<32768xf32, #tpu.memory_space<vmem>>, vector<16xf32>,
      %get3A_231 = vector.shape_cast %get3A_230 : vector<16xf32> to vector<16xf32>
      %mul3A_232 = arith.mulf %get3A_231, %select_n3A : vector<16xf32>
      %swap3A_233 = arith.index_cast %mul3A_228 : i32 to index
      %swap3A_234 = tpu.vector_load %arg7[%swap3A_233] {strides = array<i32>} : memref<32768xf32, #tpu.memory_space<vmem>>, vector<16xf32>,
      %swap3A_235 = vector.shape_cast %swap3A_234 : vector<16xf32> to vector<16xf32>
      %swap3A_236 = vector.shape_cast %mul3A_232 : vector<16xf32> to vector<16xf32>
      tpu.vector_store %arg7[%swap3A_233], %swap3A_236 {strides = array<i32>} : memref<32768xf32, #tpu.memory_space<vmem>>, vector<16xf32>,
    }
    %scan3A_125 = arith.constant 256 : i32
    "tpu.region"() ({
      %run_scoped3A = tpu.sem_alloc : memref<!tpu.dma_semaphore, #tpu.memory_space<semaphore_mem>>
      %dma_start3A = arith.constant 0 : i32
      %dma_start3A_126 = tpu.memref_slice %arg4[%add3A, %dma_start3A] : memref<32x32768xf32, #tpu.memory_space<hbm>> -> memref<1x32768xf32, #tpu.memory_space<hbm>>
      %dma_start3A_127 = tpu.memref_squeeze %dma_start3A_126 : memref<1x32768xf32, #tpu.memory_space<hbm>> -> memref<32768xf32, #tpu.memory_space<hbm>>
      %dma_start3A_128 = arith.constant 0 : i32
      %dma_start3A_129 = tpu.memref_slice %arg4[%add3A, %dma_start3A_128] : memref<32x32768xf32, #tpu.memory_space<hbm>> -> memref<1x32768xf32, #tpu.memory_space<hbm>>
      %dma_start3A_130 = tpu.memref_squeeze %dma_start3A_129 : memref<1x32768xf32, #tpu.memory_space<hbm>> -> memref<32768xf32, #tpu.memory_space<hbm>>
      tpu.enqueue_dma source(%arg7 : memref<32768xf32, #tpu.memory_space<vmem>>) target(%dma_start3A_130 : memref<32768xf32, #tpu.memory_space<hbm>>) target_semaphore(%run_scoped3A : memref<!tpu.dma_semaphore, #tpu.memory_space<semaphore_mem>>)
      %dma_wait3A = arith.constant 0 : i32
      %dma_wait3A_131 = tpu.memref_slice %arg4[%add3A, %dma_wait3A] : memref<32x32768xf32, #tpu.memory_space<hbm>> -> memref<1x32768xf32, #tpu.memory_space<hbm>>
      %dma_wait3A_132 = tpu.memref_squeeze %dma_wait3A_131 : memref<1x32768xf32, #tpu.memory_space<hbm>> -> memref<32768xf32, #tpu.memory_space<hbm>>
      %dma_wait3A_133 = arith.constant 0 : i32
      %dma_wait3A_134 = tpu.memref_slice %arg4[%add3A, %dma_wait3A_133] : memref<32x32768xf32, #tpu.memory_space<hbm>> -> memref<1x32768xf32, #tpu.memory_space<hbm>>
      %dma_wait3A_135 = tpu.memref_squeeze %dma_wait3A_134 : memref<1x32768xf32, #tpu.memory_space<hbm>> -> memref<32768xf32, #tpu.memory_space<hbm>>
      tpu.wait_dma2 semaphore(%run_scoped3A : memref<!tpu.dma_semaphore, #tpu.memory_space<semaphore_mem>>) src(%arg7 : memref<32768xf32, #tpu.memory_space<vmem>>) dst(%dma_wait3A_135 : memref<32768xf32, #tpu.memory_space<hbm>>)
      tpu.yield
    }) : () -> ()
    return
  }
}

module attributes {stable_mosaic.version = 14 : i64} {
  func.func @_masked_softmax_block(%arg0: i32, %arg1: memref<32x32768xf32, #tpu.memory_space<vmem>>, %arg2: memref<32x32768xi32, #tpu.memory_space<vmem>>, %arg3: memref<32x32768xf32, #tpu.memory_space<vmem>>) attributes {dimension_semantics = [#tpu.dimension_semantics<arbitrary>], iteration_bounds = array<i64: 3>, scalar_prefetch = 0 : i64, scratch_operands = 0 : i64, tpu.core_type = #tpu.core_type<tc>, window_params = [{transform_indices = @transform_0, window_bounds = array<i64: 32, 32768>}, {transform_indices = @transform_1, window_bounds = array<i64: 32, 32768>}, {transform_indices = @transform_2, window_bounds = array<i64: 32, 32768>}]} {
    %get3A = arith.constant 0 : index
    %get3A_0 = arith.constant 0 : index
    %get3A_1 = vector.load %arg1[%get3A, %get3A_0] : memref<32x32768xf32, #tpu.memory_space<vmem>>, vector<32x32768xf32>
    %get3A_2 = arith.constant 0 : index
    %get3A_3 = arith.constant 0 : index
    %get3A_4 = vector.load %arg2[%get3A_2, %get3A_3] : memref<32x32768xi32, #tpu.memory_space<vmem>>, vector<32x32768xi32>
    %eq3A = arith.constant 1 : i32
    %eq3A_5 = vector.broadcast %eq3A : i32 to vector<32x32768xi32>
    %eq3A_6 = arith.cmpi eq, %get3A_4, %eq3A_5 : vector<32x32768xi32>
    %jit3A = arith.constant -3.40282347E+38 : f32
    %broadcast_in_dim3A = vector.broadcast %jit3A : f32 to vector<32x32768xf32>
    %select_n3A = arith.select %eq3A_6, %get3A_1, %broadcast_in_dim3A : vector<32x32768xi1>, vector<32x32768xf32>
    %reduce_max3A = arith.constant dense<0xFF800000> : vector<32xf32>
    %reduce_max3A_7 = vector.multi_reduction <maximumf>, %select_n3A, %reduce_max3A [1] : vector<32x32768xf32> to vector<32xf32>
    %broadcast_in_dim3A_8 = vector.shape_cast %reduce_max3A_7 : vector<32xf32> to vector<32x1xf32>
    %sub3A = vector.broadcast %broadcast_in_dim3A_8 : vector<32x1xf32> to vector<32x32768xf32>
    %sub3A_9 = arith.subf %select_n3A, %sub3A : vector<32x32768xf32>
    %exp3A = math.exp %sub3A_9 : vector<32x32768xf32>
    %reduce_sum3A = arith.constant dense<0.000000e+00> : vector<32xf32>
    %reduce_sum3A_10 = vector.multi_reduction <add>, %exp3A, %reduce_sum3A [1] : vector<32x32768xf32> to vector<32xf32>
    %broadcast_in_dim3A_11 = vector.shape_cast %reduce_sum3A_10 : vector<32xf32> to vector<32x1xf32>
    %gt3A = arith.constant -3.40282347E+38 : f32
    %gt3A_12 = vector.broadcast %gt3A : f32 to vector<32x1xf32>
    %gt3A_13 = arith.cmpf ogt, %broadcast_in_dim3A_8, %gt3A_12 : vector<32x1xf32>
    %max3A = arith.constant 1.000000e-30 : f32
    %max3A_14 = vector.broadcast %max3A : f32 to vector<32x1xf32>
    %max3A_15 = arith.maximumf %broadcast_in_dim3A_11, %max3A_14 : vector<32x1xf32>
    %div3A = arith.constant 1.000000e+00 : f32
    %div3A_16 = vector.broadcast %div3A : f32 to vector<32x1xf32>
    %div3A_17 = arith.divf %div3A_16, %max3A_15 : vector<32x1xf32>
    %jit3A_18 = arith.constant 0.000000e+00 : f32
    %broadcast_in_dim3A_19 = vector.broadcast %jit3A_18 : f32 to vector<32x1xf32>
    %select_n3A_20 = arith.select %gt3A_13, %div3A_17, %broadcast_in_dim3A_19 : vector<32x1xi1>, vector<32x1xf32>
    %mul3A = vector.broadcast %select_n3A_20 : vector<32x1xf32> to vector<32x32768xf32>
    %mul3A_21 = arith.mulf %exp3A, %mul3A : vector<32x32768xf32>
    %swap3A = arith.constant 0 : index
    %swap3A_22 = arith.constant 0 : index
    %swap3A_23 = vector.load %arg3[%swap3A, %swap3A_22] : memref<32x32768xf32, #tpu.memory_space<vmem>>, vector<32x32768xf32>
    tpu.vector_store %arg3[%swap3A, %swap3A_22], %mul3A_21 {strides = array<i32>} : memref<32x32768xf32, #tpu.memory_space<vmem>>, vector<32x32768xf32>,
    return
  }
  func.func @transform_0(%arg0: i32) -> (i32, i32) {
    %c0_i32 = arith.constant 0 : i32
    %c0_i32_0 = arith.constant 0 : i32
    return %arg0, %c0_i32 : i32, i32
  }
  func.func @transform_1(%arg0: i32) -> (i32, i32) {
    %c0_i32 = arith.constant 0 : i32
    %c0_i32_0 = arith.constant 0 : i32
    return %arg0, %c0_i32 : i32, i32
  }
  func.func @transform_2(%arg0: i32) -> (i32, i32) {
    %c0_i32 = arith.constant 0 : i32
    %c0_i32_0 = arith.constant 0 : i32
    return %arg0, %c0_i32 : i32, i32
  }
}

</mosaic_0001>

<sc_bundles>
// kernel: kernel.4.cloned.1.call-start
scs
__scs_entry_jumppad:
0x0: {  	(pc) =	sbr.rel $0x88, $3  }
0x1: {  	(tag) =	ssettag $0x0;
	lr =	simm.s32 $0x1  }
0x2: {  	[smem:$0x3F9F] =	sst lr;
	_ =	strace $0xD0000000  }
0x3: {  	_ = 	snop  }
0x4: {  	_ = 	snop  }
0x5: {  	_ = 	snop  }
0x6: {  	_ = 	snop  }
0x7: {  	_ = 	snop  }
__scs_overlays_trampoline_lowered:
0x8: {  	[smem:$0x3FAE] =	sst s0  }
0x9: {  	[smem:$0x3FAF] =	sst s1  }
0xa: {  	[smem:$0x3FB0] =	sst s2  }
0xb: {  	[smem:$0x3FB1] =	sst s3  }
0xc: {  	[smem:$0x3FB2] =	sst s4  }
0xd: {  	[smem:$0x3FB3] =	sst s5  }
0xe: {  	[smem:$0x3FB4] =	sst s6  }
0xf: {  	[smem:$0x3FB5] =	sst s7  }
0x10: {  	[smem:$0x3FB6] =	sst s8  }
0x11: {  	[smem:$0x3FB7] =	sst s9;
	s0 =	simm.s32 @!p0 $0x0  }
0x12: {  	s1 =	sld [smem:$0x3F9D];
	s0 =	simm.s32 @p0 $0x1  }
0x13: {  	[smem:$0x3FB8] =	sst s0;
	s0 =	simm.s32 @!p1 $0x0  }
0x14: {  	s2 =	sld [smem:$0x3F9C];
	s0 =	simm.s32 @p1 $0x1  }
0x15: {  	[smem:$0x3FB9] =	sst s0;
	s0 =	simm.s32 @!p2 $0x0  }
0x16: {  	s3 =	sld [smem:$0x3FDB];
	s0 =	simm.s32 @p2 $0x1  }
0x17: {  	s4 =	simm.s32 $0x1BF5;
	[smem:$0x3FBB] =	sst s0  }
0x18: {  	s0 =	sld [smem:$0x3F9E];
	_ =	swait.ge [sflag:s4], $0x0  }
0x19: {  	s7 =	sld [smem:$0x3F9F]  }
0x1a: {  	s8 =	sadd.s32 $0xFFFFE003, lr  }
0x1b: {  	s9 =	sadd.s32 $0xFFFFFEF7, lr;
	s5 =	simm.s32 $0xFFFFFFFF;
	p2 =	slt.u32 s8, $0xFFFFF086  }
0x1c: {  	p1 =	slt.u32 s9, $0xF7A;
	s5 =	simm.s32 @!p2 $0x0  }
0x1d: {  	s5 =	simm.s32 @p1 $0x1;
	p0 =	seq.s32 s7, s2  }
0x1e: {  	s7 =	smul.u32 @!p0 $0xF7A, s2;
	p2 =	seq.s32 @!p0 s5, $0x0  }
0x1f: {  	s9 =	smul.u32 $0xF7A, s1;
	s8 =	simm.s32 @!p0 $0x1BF5;
	p2 =	por !p2, p0  }
0x20: {  	[sflag:s8] =	ssyncset.s32 @!p0 $0xFFFFF086;
	s6 =	sadd.s32 @!p0 s3, s7;
	s7 =	simm.s32 @!p0 $0x108  }
0x21: {  	s3 =	sadd.s32 s3, s9;
	s6 =	sadd.s32 @!p0 $0x88, s6;
	s7 =	simm.s32 @p2 $0x1082  }
0x22: {  	[simem:s7], [sflag:s8] =	dma.local @!p0 [hbm:s6], $0xF7A  }
0x23: {  	s9 =	sor.u32 $0xD0000000, s2;
	s6 =	simm.s32 $0x108;
	_ =	swait.ge @!p0 [sflag:s8], $0x0  }
0x24: {  	s3 =	sadd.s32 $0x88, s3;
	s6 =	simm.s32 @!p1 $0x1082;
	[sflag:s4] =	ssyncset.s32 $0xFFFFF086  }
0x25: {  	[simem:s6], [sflag:s4] =	dma.local [hbm:s3], $0xF7A  }
0x26: {  	[smem:$0x3F9F] =	sst s1;
	(tag) =	ssettag s2;
	_ =	strace s9  }
0x27: {  	s1 =	sld [smem:$0x3FAF]  }
0x28: {  	s2 =	sld [smem:$0x3FB0]  }
0x29: {  	s4 =	sld [smem:$0x3FB2]  }
0x2a: {  	p0 =	seq.s32 s5, $0x0;
	s5 =	sld [smem:$0x3FB3]  }
0x2b: {  	s6 =	sld [smem:$0x3FB4]  }
0x2c: {  	s7 =	sld [smem:$0x3FB5]  }
0x2d: {  	s3 =	simm.s32 $0x108;
	s8 =	sld [smem:$0x3FB6]  }
0x2e: {  	s3 =	simm.s32 @!p0 $0x1082;
	s9 =	sld [smem:$0x3FB7]  }
0x2f: {  	lr =	sadd.s32 s0, s3;
	s0 =	sld [smem:$0x3FAE]  }
0x30: {  	s3 =	sld [smem:$0x3FB1]  }
0x31: {  	[smem:$0x3FBA] =	sst s10  }
0x32: {  	s10 =	sld [smem:$0x3FB8];
	_ =	sdelay $0x3  }
0x33: {  	p0 =	seq.s32 s10, $0x1;
	s10 =	sld [smem:$0x3FBA];
	_ =	sdelay $0x3  }
0x34: {  	[smem:$0x3FBA] =	sst s10  }
0x35: {  	s10 =	sld [smem:$0x3FB9];
	_ =	sdelay $0x3  }
0x36: {  	p1 =	seq.s32 s10, $0x1;
	s10 =	sld [smem:$0x3FBA];
	_ =	sdelay $0x3  }
0x37: {  	[smem:$0x3FBA] =	sst s10  }
0x38: {  	s10 =	sld [smem:$0x3FBB]  }
0x39: {  	_ = 	snop;
	(pc) =	sbr.ind lr, $3  }
0x3a: {  	_ = 	snop  }
0x3b: {  	_ = 	snop  }
0x3c: {  	p2 =	seq.s32 s10, $0x1;
	s10 =	sld [smem:$0x3FBA]  }
0x3d: {  	_ =	shalt  }
0x3e: {  	_ =	shalt  }
0x3f: {  	_ =	shalt  }
0x40: {  	_ =	shalt  }
0x41: {  	_ =	shalt  }
0x42: {  	_ =	shalt  }
0x43: {  	_ =	shalt  }
0x44: {  	_ =	shalt  }
0x45: {  	_ =	shalt  }
0x46: {  	_ =	shalt  }
0x47: {  	_ =	shalt  }
0x48: {  	_ =	shalt  }
0x49: {  	_ =	shalt  }
0x4a: {  	_ =	shalt  }
0x4b: {  	_ =	shalt  }
0x4c: {  	_ =	shalt  }
0x4d: {  	_ =	shalt  }
0x4e: {  	_ =	shalt  }
0x4f: {  	_ =	shalt  }
0x50: {  	_ =	shalt  }
0x51: {  	_ =	shalt  }
0x52: {  	_ =	shalt  }
0x53: {  	_ =	shalt  }
0x54: {  	_ =	shalt  }
0x55: {  	_ =	shalt  }
0x56: {  	_ =	shalt  }
0x57: {  	_ =	shalt  }
0x58: {  	_ =	shalt  }
0x59: {  	_ =	shalt  }
0x5a: {  	_ =	shalt  }
0x5b: {  	_ =	shalt  }
0x5c: {  	_ =	shalt  }
0x5d: {  	_ =	shalt  }
0x5e: {  	_ =	shalt  }
0x5f: {  	_ =	shalt  }
0x60: {  	_ =	shalt  }
0x61: {  	_ =	shalt  }
0x62: {  	_ =	shalt  }
0x63: {  	_ =	shalt  }
0x64: {  	_ =	shalt  }
0x65: {  	_ =	shalt  }
0x66: {  	_ =	shalt  }
0x67: {  	_ =	shalt  }
0x68: {  	_ =	shalt  }
0x69: {  	_ =	shalt  }
0x6a: {  	_ =	shalt  }
0x6b: {  	_ =	shalt  }
0x6c: {  	_ =	shalt  }
0x6d: {  	_ =	shalt  }
0x6e: {  	_ =	shalt  }
0x6f: {  	_ =	shalt  }
0x70: {  	_ =	shalt  }
0x71: {  	_ =	shalt  }
0x72: {  	_ =	shalt  }
0x73: {  	_ =	shalt  }
0x74: {  	_ =	shalt  }
0x75: {  	_ =	shalt  }
0x76: {  	_ =	shalt  }
0x77: {  	_ =	shalt  }
0x78: {  	_ =	shalt  }
0x79: {  	_ =	shalt  }
0x7a: {  	_ =	shalt  }
0x7b: {  	_ =	shalt  }
0x7c: {  	_ =	shalt  }
0x7d: {  	_ =	shalt  }
0x7e: {  	_ =	shalt  }
0x7f: {  	_ =	shalt  }
0x80: {  	_ =	shalt  }
0x81: {  	_ =	shalt  }
0x82: {  	_ =	shalt  }
0x83: {  	_ =	shalt  }
0x84: {  	_ =	shalt  }
0x85: {  	_ =	shalt  }
0x86: {  	_ =	shalt  }
0x87: {  	_ =	shalt  }
.Lfunc_end0:
.L_simem_size_0:
called_computation_lowered:
.L_overlay_start_0:
0x88: {  	s2 =	sld [smem:$0x3FD9]  }
0x89: {  	s3 =	sld [smem:$0x3FFE];
	_ =	sdelay $0x1  }
0x8a: {  	s1 =	srdreg.scid  }
0x8b: {  	s0 =	sand.u32 $0x1, s1  }
0x8c: {  	s17 =	sshll.u32 s0, $0xA;
	s2 =	sadd.s32 s3, s2  }
0x8d: {  	s2 =	sadd.s32 s2, s17  }
0x8e: {  	[smem:$0x3FC6] =	sst s2  }
0x8f: {  	_ = 	snop  }
0x90: {  	s2 =	sld [smem:$0x3FC9]  }
0x91: {  	s18 =	sld [smem:$0x3FC8];
	(tm) =	ssettm $0x1  }
0x92: {  	s4 =	sld [smem:$0x3FFB];
	_ =	sdelay $0x3  }
0x93: {  	_ =	strace s4  }
0x94: {  	s4 =	sld [smem:$0x3FFC];
	_ =	sdelay $0x3  }
0x95: {  	_ =	strace s4  }
0x96: {  	s4 =	sld [smem:$0x3FFD];
	_ =	sdelay $0x3  }
0x97: {  	_ =	strace s4  }
0x98: {  	_ =	strace $0x8FFFFFFF  }
0x99: {  	s19 =	sld [smem:$0x3FDB];
	_ =	sdelay $0x1  }
0x9a: {  	s5 =	simm.s32 $_scs_section_size  }
0x9b: {  	s6 =	simm.s32 $_size__tile_overlayer_lowered;
	s7 =	simm.s32 $_tile_overlayer_lowered  }
0x9c: {  	s22 =	simm.s32 $0x1BFF;
	s21 =	sshll.u32 s7, $0x1;
	s4 =	sadd.s32 s5, s19  }
0x9d: {  	s8 =	simm.s32 $0x0;
	s20 =	sshll.u32 s6, $0x1;
	s6 =	sadd.s32 s21, s4  }
0x9e: {  	[timem:s8], [sflag:s22] =	dma.local [hbm:s6], s20  }
0x9f: {  	_ =	swait.ge [sflag:s22], s20  }
0xa0: {  	s5 =	ssub.s32 $0x0, s20;
	[sflag:s22] =	ssyncset.done $0x0  }
0xa1: {  	[sflag:s22] =	ssyncadd.s32 s5;
	_ =	sdelay $0x1  }
0xa2: {  	s23 =	simm.s32 $0x1B8B  }
0xa3: {  	_ =	swait.ge [sflag:s23], $0x1  }
0xa4: {  	[sflag:s23] =	ssyncset.done $0x0  }
0xa5: {  	s25 =	simm.s32 $0x1B8E;
	s24 =	sld [smem:$0x3FFE];
	[sflag:s23] =	ssyncadd.s32 $0xFFFFFFFF  }
0xa6: {  	s26 =	simm.s32 $execute0_lowered;
	[smem:$0x3FD2] =	sst s25  }
0xa7: {  	s6 =	sshll.u32 s26, $0x1;
	_ =	strace $0x80000046;
	[dreg:$0x1] =	wrdreg $0xFFFFFFFF  }
0xa8: {  	s28 =	simm.s32 $_size_execute0_lowered;
	s4 =	sadd.s32 s4, s6;
	[dreg:$0x0] =	wrdreg $0x0  }
0xa9: {  	s6 =	sshll.u32 s28, $0x1;
	[dreg:$0x2] =	wrdreg s4  }
0xaa: {  	[dreg:$0x3] =	wrdreg s6  }
0xab: {  	[dreg:$0x4] =	wrdreg $0xC0  }
0xac: {  	_ =	task [dreg:s8], $0x5FFFF  }
0xad: {  	[dreg:$0x1] =	wrdreg $0xFFFFFFFF  }
0xae: {  	[dreg:$0x0] =	wrdreg $0x60  }
0xaf: {  	[dreg:$0x2] =	wrdreg s2  }
0xb0: {  	[dreg:$0x3] =	wrdreg s18  }
0xb1: {  	[dreg:$0x4] =	wrdreg s24  }
0xb2: {  	[dreg:$0x5] =	wrdreg $0x9  }
0xb3: {  	_ =	task.clear_ibuf [dreg:s8], $0x6FFFF;
	_ =	strace $0x90000046  }
0xb4: {  	s29 =	simm.s32 $0x9;
	_ =	strace $0x80000048  }
0xb5: {  	_ =	swait.ge [sflag:s29], $0x1  }
0xb6: {  	[sflag:s29] =	ssyncadd.s32 $0xFFFFFFFF  }
0xb7: {  	_ =	strace $0x90000048  }
0xb8: {  	_ =	sfence  }
0xb9: {  	s30 =	sld [smem:$0x0];
	_ =	sdelay $0x2  }
0xba: {  	s31 =	sshll.u32 s1, $0xD;
	s1 =	sshrl.u32 s1, $0x2  }
0xbb: {  	s3 =	sand.u32 $0x4000, s31;
	s1 =	sadd.s32 s1, s30  }
0xbc: {  	s0 =	sor.u32 s3, s0;
	s1 =	sshll.u32 s1, $0x11  }
0xbd: {  	s0 =	sor.u32 s1, s0  }
0xbe: {  	s0 =	sadd.s32 $0x8F2B, s0  }
0xbf: {  	[sflag:s0] =	ssyncadd.remote.s32 $0x1  }
0xc0: {  	_ =	sfence.sel $0xFFFF  }
0xc1: {  	[dreg:$0x0] =	wrdreg $0xFFFFFFFF;
	(pc) =	sbr.abs _section_cstart, $3  }
0xc2: {  	[dreg:$0x1] =	wrdreg $0xFFFFFFFF  }
0xc3: {  	_ =	task.clear_ibuf [dreg:s8], $0x2FFFF;
	_ =	strace $0x9FFFFFFF  }
0xc4: {  	(tm) =	ssettm $0x7FFFFFFF  }
0xc5: {  	_ =	shalt  }
tec
execute0_lowered:
.L_overlay_start_1:
0x0: {  	(tag) =	ssettag $0x1  }
0x1: {  	s3 =	rddreg [dreg:$0x0]  }
0x2: {  	s4 =	rddreg [dreg:$0x1]  }
0x3: {  	s5 =	rddreg [dreg:$0x2]  }
0x4: {  	s2 =	srdreg.scid;
	s1 =	stileid.u32  }
0x5: {  	s0 =	rddreg [dreg:$0x3];
	s10 =	simm.s32 $0x8000;
	s11 =	simm.s32 $0x10000  }
0x6: {  	s12 =	simm.s32 $0x0;
	s6 =	sand.u32 $0x1, s2;
	s29 =	sshll.u32 s1, $0x5  }
0x7: {  	s7 =	sshll.u32 s1, $0xD;
	s2 =	simm.s32 $0x0;
	s8 =	sshll.u32 s6, $0x4  }
0x8: {  	s9 =	sand.u32 $0x60, s29;
	s7 =	sand.u32 $0x18000, s7;
	[smem:$0x7FF] =	sst s2  }
0x9: {  	s6 =	ssub.s32 $0x2, s6;
	s8 =	sor.u32 s8, s9;
	_ =	strace $0x80000047  }
0xa: {  	s30 =	sshrl.u32 s6, $0x1;
	s9 =	simm.s32 $0x1;
	s7 =	sor.u32 s7, s8  }
0xb: {  	s6 =	ssub.s32 s6, s30;
	s8 =	simm.s32 $0x400;
	s31 =	sor.u32 $0x60000, s7  }
0xc: {  	s5 =	sadd.s32 s7, s5;
	s6 =	smax.u32 s6, $0x1;
	s7 =	simm.s32 $0x80  }
0xd: {  	v0 =	vimm.s32 $0x0;
	s3 =	sadd.s32 s3, s31;
	s4 =	sadd.s32 s4, s31;
	s5 =	sadd.s32 $0x600, s5  }
.LBB2_1:
0xe: {  	[tilespmem:s2], [sflag:$0x1] =	stream.strided.gather [hbm4b:s3+s7], $0x8000, s8, s7, $0x38;
	[tilespmem:$0x18000] =	vst v63  }
0xf: {  	_ =	swait.ge [sflag:s9], $0x8000  }
0x10: {  	[sflag:s9] =	ssyncset.done $0x0  }
0x11: {  	[sflag:s9] =	ssyncadd.s32 $0xFFFF8000  }
0x12: {  	[tilespmem:s10], [sflag:$0x1] =	stream.strided.gather [hbm4b:s4+s7], $0x8000, s8, s7, $0x38;
	[tilespmem:$0x18000] =	vst v63  }
0x13: {  	_ =	swait.ge [sflag:s9], $0x8000  }
0x14: {  	[sflag:s9] =	ssyncset.done $0x0  }
0x15: {  	s13 =	simm.s32 $0x0;
	[sflag:s9] =	ssyncadd.s32 $0xFFFF8000  }
0x16: {  	v1 =	vld [tilespmem:s13+$0x60]  }
0x17: {  	v3 =	vld [tilespmem:s13+$0x50]  }
0x18: {  	v2 =	vld [tilespmem:s13+$0x40]  }
0x19: {  	v4 =	vld [tilespmem:s13+$0x30]  }
0x1a: {  	v5 =	vld [tilespmem:s13+$0x20]  }
0x1b: {  	v6 =	vld [tilespmem:s13+$0x10]  }
0x1c: {  	v7 =	vimm.f32 $-3.402823470e+38;
	s14 =	simm.s32 $0x200;
	v8 =	vld [tilespmem:s13+$0x0]  }
.LBB2_2:
0x1d: {  	p0 =	sne.s32 s14, $0x1FE00;
	v9 =	vld [tilespmem:s13+$0x8000]  }
0x1e: {  	v10 =	vld [tilespmem:s13+$0x8010]  }
0x1f: {  	v11 =	vld [tilespmem:s13+$0x8020]  }
0x20: {  	v12 =	vld [tilespmem:s13+$0x8030]  }
0x21: {  	v13 =	vld [tilespmem:s13+$0x8040]  }
0x22: {  	vm0 =	veq.s32 v9, $0x1;
	v9 =	vld [tilespmem:s13+$0x8050]  }
0x23: {  	v8 =	vnsel vm0, $0xFF7FFFFF, v8;
	vm0 =	veq.s32 v10, $0x1;
	v10 =	vld [tilespmem:s13+$0x8060]  }
0x24: {  	v7 =	vmax.f32 v7, v8;
	v6 =	vnsel vm0, $0xFF7FFFFF, v6;
	vm0 =	veq.s32 v11, $0x1;
	v8 =	vld [tilespmem:s13+$0x8070]  }
0x25: {  	v6 =	vmax.f32 v7, v6;
	v5 =	vnsel vm0, $0xFF7FFFFF, v5;
	vm0 =	veq.s32 v12, $0x1;
	v7 =	vld [tilespmem:s13+$0x70];
	s13 =	sshra.s32 s14, $0x2  }
0x26: {  	v11 =	vld [tilespmem:s13+$0x60];
	v5 =	vmax.f32 v6, v5;
	v4 =	vnsel vm0, $0xFF7FFFFF, v4;
	vm0 =	veq.s32 v13, $0x1  }
0x27: {  	v12 =	vld [tilespmem:s13+$0x50];
	v4 =	vmax.f32 v5, v4;
	v5 =	vnsel vm0, $0xFF7FFFFF, v2;
	vm0 =	veq.s32 v9, $0x1  }
.Ltmp0:
0x28: {  	v2 =	vld [tilespmem:s13+$0x40];
	v5 =	vmax.f32 v4, v5;
	v3 =	vnsel vm0, $0xFF7FFFFF, v3;
	vm0 =	veq.s32 v10, $0x1;
	(pc) =	sbr.rel @p0 .LBB2_2-.Ltmp0, $4  }
0x29: {  	v4 =	vld [tilespmem:s13+$0x30];
	v3 =	vmax.f32 v5, v3;
	v10 =	vnsel vm0, $0xFF7FFFFF, v1;
	vm0 =	veq.s32 v8, $0x1  }
0x2a: {  	v5 =	vld [tilespmem:s13+$0x20];
	v8 =	vmax.f32 v3, v10;
	v9 =	vnsel vm0, $0xFF7FFFFF, v7  }
0x2b: {  	v6 =	vld [tilespmem:s13+$0x10];
	v7 =	vmax.f32 v8, v9;
	v1 =	vmov v11  }
0x2c: {  	s14 =	sadd.s32 $0x200, s14;
	v8 =	vld [tilespmem:s13+$0x0];
	v3 =	vmov v12  }
0x2d: {  	v9 =	vld [tilespmem:s13+$0x8000]  }
0x2e: {  	v10 =	vld [tilespmem:s13+$0x8010]  }
0x2f: {  	v11 =	vld [tilespmem:s13+$0x8020]  }
0x30: {  	v12 =	vld [tilespmem:s13+$0x8030]  }
0x31: {  	v13 =	vld [tilespmem:s13+$0x8040]  }
0x32: {  	vm0 =	veq.s32 v9, $0x1;
	v9 =	vld [tilespmem:s13+$0x8050]  }
0x33: {  	v8 =	vnsel vm0, $0xFF7FFFFF, v8;
	vm0 =	veq.s32 v10, $0x1;
	v10 =	vld [tilespmem:s13+$0x8060]  }
0x34: {  	v7 =	vmax.f32 v7, v8;
	v6 =	vnsel vm0, $0xFF7FFFFF, v6;
	vm0 =	veq.s32 v11, $0x1;
	v8 =	vld [tilespmem:s13+$0x8070]  }
0x35: {  	v6 =	vmax.f32 v7, v6;
	v5 =	vnsel vm0, $0xFF7FFFFF, v5;
	vm0 =	veq.s32 v12, $0x1;
	v7 =	vld [tilespmem:s13+$0x70]  }
0x36: {  	v5 =	vmax.f32 v6, v5;
	v4 =	vnsel vm0, $0xFF7FFFFF, v4;
	vm0 =	veq.s32 v13, $0x1  }
0x37: {  	v4 =	vmax.f32 v5, v4;
	v2 =	vnsel vm0, $0xFF7FFFFF, v2;
	vm0 =	veq.s32 v9, $0x1  }
0x38: {  	v2 =	vmax.f32 v4, v2;
	v3 =	vnsel vm0, $0xFF7FFFFF, v3;
	vm0 =	veq.s32 v10, $0x1  }
0x39: {  	v2 =	vmax.f32 v2, v3;
	v1 =	vnsel vm0, $0xFF7FFFFF, v1;
	vm0 =	veq.s32 v8, $0x1  }
0x3a: {  	v1 =	vmax.f32 v2, v1;
	v2 =	vnsel vm0, $0xFF7FFFFF, v7  }
0x3b: {  	v1 =	vmax.f32 v1, v2  }
0x3c: {  	(v2sf) =	vpush v1, $0x0  }
0x3d: {  	(v2sf) =	vpush v1, $0x1  }
0x3e: {  	(v2sf) =	vpush v1, $0x2  }
0x3f: {  	(v2sf) =	vpush v1, $0x3  }
0x40: {  	(v2sf) =	vpush v1, $0x4  }
0x41: {  	(v2sf) =	vpush v1, $0x5  }
0x42: {  	(v2sf) =	vpush v1, $0x6  }
0x43: {  	(v2sf) =	vpush v1, $0x7  }
0x44: {  	(v2sf) =	vpush v1, $0x8  }
0x45: {  	(v2sf) =	vpush v1, $0x9  }
0x46: {  	(v2sf) =	vpush v1, $0xA  }
0x47: {  	(v2sf) =	vpush v1, $0xB  }
0x48: {  	(v2sf) =	vpush v1, $0xC  }
0x49: {  	(v2sf) =	vpush v1, $0xD  }
0x4a: {  	(v2sf) =	vpush v1, $0xE  }
0x4b: {  	s18 =	spop (v2sf);
	(v2sf) =	vpush v1, $0xF  }
0x4c: {  	s14 =	spop (v2sf)  }
0x4d: {  	s15 =	spop (v2sf);
	s13 =	smax.f32 s18, s14  }
0x4e: {  	s19 =	spop (v2sf);
	s13 =	smax.f32 s13, s15  }
0x4f: {  	s20 =	spop (v2sf);
	s13 =	smax.f32 s13, s19  }
0x50: {  	s21 =	spop (v2sf);
	s13 =	smax.f32 s13, s20  }
0x51: {  	s22 =	spop (v2sf);
	s13 =	smax.f32 s13, s21  }
0x52: {  	s16 =	spop (v2sf);
	s13 =	smax.f32 s13, s22  }
0x53: {  	s14 =	simm.s32 $0x0;
	s23 =	spop (v2sf);
	s13 =	smax.f32 s13, s16  }
0x54: {  	v1 =	vld [tilespmem:s14+$0x8000];
	s24 =	spop (v2sf);
	s13 =	smax.f32 s13, s23  }
0x55: {  	v2 =	vld [tilespmem:s14+$0x8010];
	s25 =	spop (v2sf);
	s13 =	smax.f32 s13, s24  }
0x56: {  	v3 =	vld [tilespmem:s14+$0x0];
	s26 =	spop (v2sf);
	s13 =	smax.f32 s13, s25  }
0x57: {  	v4 =	vld [tilespmem:s14+$0x8020];
	s28 =	spop (v2sf);
	s13 =	smax.f32 s13, s26  }
0x58: {  	v5 =	vld [tilespmem:s14+$0x10];
	s29 =	spop (v2sf);
	s13 =	smax.f32 s13, s28  }
0x59: {  	v6 =	vld [tilespmem:s14+$0x8030];
	s30 =	spop (v2sf);
	s13 =	smax.f32 s13, s29  }
0x5a: {  	v7 =	vld [tilespmem:s14+$0x20];
	s13 =	smax.f32 s13, s30;
	s31 =	spop (v2sf)  }
0x5b: {  	v8 =	vld [tilespmem:s14+$0x8040];
	vm0 =	veq.s32 v1, $0x1;
	s13 =	smax.f32 s13, s31  }
0x5c: {  	v9 =	vld [tilespmem:s14+$0x30];
	v3 =	vnsel vm0, $0xFF7FFFFF, v3;
	v1 =	vmov s13  }
0x5d: {  	v10 =	vld [tilespmem:s14+$0x8050];
	v3 =	vsub.f32 v3, v1  }
0x5e: {  	v11 =	vld [tilespmem:s14+$0x40];
	vm0 =	veq.s32 v2, $0x1  }
0x5f: {  	v56 =	vld [tilespmem:s14+$0x8060];
	v5 =	vnsel vm0, $0xFF7FFFFF, v5;
	vm0 =	veq.s32 v4, $0x1;
	v3 =	vmul.f32 $1.442695020e+00, v3  }
0x60: {  	v2 =	vld [tilespmem:s14+$0x50];
	v4 =	vnsel vm0, $0xFF7FFFFF, v7;
	vm0 =	veq.s32 v6, $0x1;
	v5 =	vsub.f32 v5, v1  }
0x61: {  	v57 =	vld [tilespmem:s14+$0x8070];
	v6 =	vnsel vm0, $0xFF7FFFFF, v9;
	(erf) = vpow2.f32 v3  }
0x62: {  	v14 =	vld [tilespmem:s14+$0x60];
	vm0 =	veq.s32 v8, $0x1;
	s13 =	simm.s32 $0x80;
	v4 =	vsub.f32 v4, v1;
	v5 =	vmul.f32 $1.442695020e+00, v5  }
0x63: {  	v8 =	vnsel vm0, $0xFF7FFFFF, v11;
	vm0 =	veq.s32 v10, $0x1;
	v7 =	vld [tilespmem:s13+$0x8000]  }
0x64: {  	v15 =	vld [tilespmem:s13+$0x8010];
	v6 =	vsub.f32 v6, v1;
	v4 =	vmul.f32 $1.442695020e+00, v4;
	(erf) = vpow2.f32 v5  }
0x65: {  	v2 =	vnsel vm0, $0xFF7FFFFF, v2;
	v3 =	vld [tilespmem:s14+$0x70]  }
0x66: {  	v8 =	vsub.f32 v8, v1;
	v6 =	vmul.f32 $1.442695020e+00, v6;
	v5 =	vld [tilespmem:s13+$0x0];
	(erf) = vpow2.f32 v4  }
0x67: {  	v59 =	vimm.f32 $0.0e+00;
	vm0 =	veq.s32 v56, $0x1;
	v9 =	vld [tilespmem:s13+$0x8020];
	v2 =	vsub.f32 v2, v1  }
0x68: {  	v12 =	vnsel vm0, $0xFF7FFFFF, v14;
	v16 =	vld [tilespmem:s13+$0x10];
	v8 =	vmul.f32 $1.442695020e+00, v8;
	(erf) = vpow2.f32 v6  }
0x69: {  	vm0 =	veq.s32 v57, $0x1;
	v11 =	vld [tilespmem:s13+$0x20];
	v12 =	vsub.f32 v12, v1;
	v2 =	vmul.f32 $1.442695020e+00, v2  }
0x6a: {  	vm1 =	veq.s32 v7, $0x1;
	v4 =	vld [tilespmem:s13+$0x8030];
	v3 =	vnsel vm0, $0xFF7FFFFF, v3;
	v6 =	vpop (erf);
	(erf) = vpow2.f32 v8  }
0x6b: {  	v17 =	vld [tilespmem:s13+$0x8040];
	v12 =	vmul.f32 $1.442695020e+00, v12;
	v5 =	vnsel vm1, $0xFF7FFFFF, v5;
	v3 =	vsub.f32 v3, v1  }
0x6c: {  	v10 =	vld [tilespmem:s13+$0x30];
	v5 =	vsub.f32 v5, v1;
	[tilespmem:s14+$0x10000] =	vst v6;
	v6 =	vadd.f32 v6, v59;
	(erf) = vpow2.f32 v2  }
0x6d: {  	vm0 =	veq.s32 v15, $0x1;
	vm1 =	veq.s32 v9, $0x1;
	v3 =	vmul.f32 $1.442695020e+00, v3;
	v7 =	vpop (erf);
	v58 =	vld [tilespmem:s13+$0x8050]  }
0x6e: {  	v5 =	vmul.f32 $1.442695020e+00, v5;
	v8 =	vld [tilespmem:s13+$0x40];
	[tilespmem:s14+$0x10010] =	vst v7;
	(erf) = vpow2.f32 v12;
	v6 =	vadd.f32 v7, v6  }
0x6f: {  	v61 =	vpop (erf);
	v60 =	vld [tilespmem:s13+$0x8060];
	v7 =	vnsel vm0, $0xFF7FFFFF, v16;
	vm0 =	veq.s32 v4, $0x1;
	(erf) = vpow2.f32 v3  }
0x70: {  	v18 =	vld [tilespmem:s13+$0x50];
	[tilespmem:s14+$0x10020] =	vst v61;
	v3 =	vnsel vm1, $0xFF7FFFFF, v11;
	v7 =	vsub.f32 v7, v1;
	v6 =	vadd.f32 v61, v6  }
0x71: {  	v9 =	vpop (erf);
	v2 =	vld [tilespmem:s13+$0x8070];
	v11 =	vsub.f32 v3, v1;
	v10 =	vnsel vm0, $0xFF7FFFFF, v10;
	vm0 =	veq.s32 v17, $0x1  }
0x72: {  	v4 =	vld [tilespmem:s13+$0x60];
	[tilespmem:s14+$0x10030] =	vst v9;
	(erf) = vpow2.f32 v5;
	v7 =	vmul.f32 $1.442695020e+00, v7;
	v5 =	vadd.f32 v9, v6  }
0x73: {  	s15 =	simm.s32 $0x100;
	v3 =	vld [tilespmem:s13+$0x70];
	v10 =	vsub.f32 v10, v1;
	v11 =	vmul.f32 $1.442695020e+00, v11;
	vm1 =	veq.s32 v58, $0x1;
	v9 =	vpop (erf)  }
0x74: {  	v6 =	vld [tilespmem:s15+$0x8000];
	v8 =	vnsel vm0, $0xFF7FFFFF, v8;
	(erf) = vpow2.f32 v7;
	[tilespmem:s14+$0x10040] =	vst v9;
	v62 =	vadd.f32 v9, v5  }
0x75: {  	v10 =	vmul.f32 $1.442695020e+00, v10;
	v8 =	vsub.f32 v8, v1;
	vm0 =	veq.s32 v60, $0x1;
	v63 =	vpop (erf);
	v5 =	vld [tilespmem:s15+$0x8010]  }
0x76: {  	s16 =	simm.s32 $0x600;
	(erf) = vpow2.f32 v11;
	v9 =	vnsel vm1, $0xFF7FFFFF, v18;
	v7 =	vld [tilespmem:s15+$0x0];
	[tilespmem:s14+$0x10050] =	vst v63;
	v11 =	vadd.f32 v63, v62  }
.LBB2_4:
0x77: {  	p0 =	sne.s32 s16, $0x1FE00;
	v12 =	vld [tilespmem:s15+$0x8020];
	v9 =	vsub.f32 v9, v1;
	v4 =	vnsel vm0, $0xFF7FFFFF, v4;
	vm0 =	veq.s32 v2, $0x1;
	v2 =	vpop (erf)  }
0x78: {  	v14 =	vmul.f32 $1.442695020e+00, v8;
	v13 =	vld [tilespmem:s15+$0x10];
	(erf) = vpow2.f32 v10;
	[tilespmem:s14+$0x10060] =	vst v2;
	v2 =	vadd.f32 v2, v11  }
0x79: {  	v4 =	vsub.f32 v4, v1;
	v3 =	vnsel vm0, $0xFF7FFFFF, v3;
	vm1 =	veq.s32 v6, $0x1;
	v6 =	vld [tilespmem:s15+$0x8030];
	v10 =	vpop (erf)  }
0x7a: {  	v9 =	vmul.f32 $1.442695020e+00, v9;
	v11 =	vld [tilespmem:s15+$0x20];
	(erf) = vpow2.f32 v14;
	[tilespmem:s14+$0x10070] =	vst v10;
	v2 =	vadd.f32 v10, v2;
	s14 =	smov.u32 s13;
	s13 =	smov.u32 s15  }
0x7b: {  	v3 =	vsub.f32 v3, v1;
	vm0 =	veq.s32 v5, $0x1;
	v7 =	vnsel vm1, $0xFF7FFFFF, v7;
	v5 =	vld [tilespmem:s13+$0x8040];
	v8 =	vpop (erf)  }
0x7c: {  	v4 =	vmul.f32 $1.442695020e+00, v4;
	v10 =	vld [tilespmem:s13+$0x30];
	[tilespmem:s14+$0x10000] =	vst v8;
	v2 =	vadd.f32 v8, v2;
	(erf) = vpow2.f32 v9  }
0x7d: {  	v7 =	vsub.f32 v7, v1;
	v8 =	vnsel vm0, $0xFF7FFFFF, v13;
	vm0 =	veq.s32 v12, $0x1;
	v9 =	vld [tilespmem:s13+$0x8050];
	v12 =	vpop (erf)  }
0x7e: {  	v3 =	vmul.f32 $1.442695020e+00, v3;
	v13 =	vld [tilespmem:s13+$0x40];
	[tilespmem:s14+$0x10010] =	vst v12;
	v2 =	vadd.f32 v12, v2;
	(erf) = vpow2.f32 v4  }
0x7f: {  	v4 =	vsub.f32 v8, v1;
	v8 =	vnsel vm0, $0xFF7FFFFF, v11;
	vm0 =	veq.s32 v6, $0x1;
	v11 =	vld [tilespmem:s13+$0x8060];
	v6 =	vpop (erf)  }
0x80: {  	v7 =	vmul.f32 $1.442695020e+00, v7;
	v12 =	vld [tilespmem:s13+$0x50];
	[tilespmem:s14+$0x10020] =	vst v6;
	v6 =	vadd.f32 v6, v2;
	(erf) = vpow2.f32 v3  }
0x81: {  	v8 =	vsub.f32 v8, v1;
	v3 =	vnsel vm0, $0xFF7FFFFF, v10;
	vm0 =	veq.s32 v5, $0x1;
	v2 =	vld [tilespmem:s13+$0x8070];
	v5 =	vpop (erf)  }
.Ltmp1:
0x82: {  	v10 =	vmul.f32 $1.442695020e+00, v4;
	v4 =	vld [tilespmem:s13+$0x60];
	(erf) = vpow2.f32 v7;
	[tilespmem:s14+$0x10030] =	vst v5;
	v5 =	vadd.f32 v5, v6;
	(pc) =	sbr.rel @p0 .LBB2_4-.Ltmp1, $4  }
0x83: {  	s15 =	sshra.s32 s16, $0x2;
	v14 =	vsub.f32 v3, v1;
	v7 =	vnsel vm0, $0xFF7FFFFF, v13;
	vm0 =	veq.s32 v9, $0x1;
	v3 =	vld [tilespmem:s13+$0x70];
	v9 =	vpop (erf)  }
0x84: {  	v13 =	vmul.f32 $1.442695020e+00, v8;
	v6 =	vld [tilespmem:s15+$0x8000];
	(erf) = vpow2.f32 v10;
	[tilespmem:s14+$0x10040] =	vst v9;
	v15 =	vadd.f32 v9, v5  }
0x85: {  	v8 =	vsub.f32 v7, v1;
	v5 =	vld [tilespmem:s15+$0x8010];
	v9 =	vnsel vm0, $0xFF7FFFFF, v12;
	vm0 =	veq.s32 v11, $0x1;
	v11 =	vpop (erf)  }
0x86: {  	s16 =	sadd.s32 $0x200, s16;
	v10 =	vmul.f32 $1.442695020e+00, v14;
	v7 =	vld [tilespmem:s15+$0x0];
	(erf) = vpow2.f32 v13;
	[tilespmem:s14+$0x10050] =	vst v11;
	v11 =	vadd.f32 v11, v15  }
0x87: {  	v13 =	vpop (erf);
	vm1 =	veq.s32 v2, $0x1;
	v8 =	vmul.f32 $1.442695020e+00, v8  }
0x88: {  	v14 =	vld [tilespmem:s15+$0x10];
	v4 =	vnsel vm0, $0xFF7FFFFF, v4;
	v9 =	vsub.f32 v9, v1;
	v2 =	vadd.f32 v13, v11  }
0x89: {  	v12 =	vld [tilespmem:s15+$0x8020];
	[tilespmem:s14+$0x10060] =	vst v13;
	(erf) = vpow2.f32 v10;
	v3 =	vnsel vm1, $0xFF7FFFFF, v3;
	v4 =	vsub.f32 v4, v1  }
0x8a: {  	v16 =	vpop (erf);
	v17 =	vld [tilespmem:s15+$0x20];
	vm6 =	veq.s32 v6, $0x1;
	(erf) = vpow2.f32 v8;
	v9 =	vmul.f32 $1.442695020e+00, v9  }
0x8b: {  	v15 =	vld [tilespmem:s15+$0x8030];
	v3 =	vsub.f32 v3, v1;
	[tilespmem:s14+$0x10070] =	vst v16;
	v2 =	vadd.f32 v16, v2;
	vm7 =	veq.s32 v5, $0x1  }
0x8c: {  	v4 =	vmul.f32 $1.442695020e+00, v4;
	v6 =	vpop (erf);
	v8 =	vld [tilespmem:s15+$0x30];
	v7 =	vnsel vm6, $0xFF7FFFFF, v7;
	(erf) = vpow2.f32 v9  }
0x8d: {  	v10 =	vld [tilespmem:s15+$0x8040];
	v3 =	vmul.f32 $1.442695020e+00, v3;
	[tilespmem:s13+$0x10000] =	vst v6;
	v2 =	vadd.f32 v6, v2;
	v11 =	vnsel vm7, $0xFF7FFFFF, v14  }
0x8e: {  	v7 =	vsub.f32 v7, v1;
	vm8 =	veq.s32 v12, $0x1;
	v5 =	vld [tilespmem:s15+$0x8050];
	v6 =	vpop (erf);
	(erf) = vpow2.f32 v4  }
0x8f: {  	v9 =	vld [tilespmem:s15+$0x40];
	[tilespmem:s13+$0x10010] =	vst v6;
	v2 =	vadd.f32 v6, v2;
	v6 =	vsub.f32 v11, v1;
	v11 =	vnsel vm8, $0xFF7FFFFF, v17  }
0x90: {  	vm9 =	veq.s32 v15, $0x1;
	v7 =	vmul.f32 $1.442695020e+00, v7;
	v4 =	vld [tilespmem:s15+$0x8060];
	v58 =	vpop (erf);
	(erf) = vpow2.f32 v3  }
0x91: {  	v59 =	vld [tilespmem:s15+$0x50];
	v3 =	vsub.f32 v11, v1;
	[tilespmem:s13+$0x10020] =	vst v58;
	v2 =	vadd.f32 v58, v2;
	v8 =	vnsel vm9, $0xFF7FFFFF, v8  }
0x92: {  	vm10 =	veq.s32 v10, $0x1;
	v6 =	vmul.f32 $1.442695020e+00, v6;
	v10 =	vld [tilespmem:s15+$0x8070];
	v11 =	vpop (erf);
	(erf) = vpow2.f32 v7  }
0x93: {  	v60 =	vld [tilespmem:s15+$0x60];
	v7 =	vsub.f32 v8, v1;
	v3 =	vmul.f32 $1.442695020e+00, v3;
	v2 =	vadd.f32 v11, v2;
	[tilespmem:s13+$0x10030] =	vst v11  }
0x94: {  	v8 =	vnsel vm10, $0xFF7FFFFF, v9;
	vm11 =	veq.s32 v5, $0x1;
	v5 =	vpop (erf);
	(erf) = vpow2.f32 v6;
	v9 =	vld [tilespmem:s15+$0x70]  }
0x95: {  	v6 =	vsub.f32 v8, v1;
	v7 =	vmul.f32 $1.442695020e+00, v7;
	v2 =	vadd.f32 v5, v2  }
0x96: {  	v8 =	vnsel vm11, $0xFF7FFFFF, v59;
	vm12 =	veq.s32 v4, $0x1;
	v4 =	vpop (erf);
	(erf) = vpow2.f32 v3  }
0x97: {  	v3 =	vsub.f32 v8, v1;
	v6 =	vmul.f32 $1.442695020e+00, v6;
	v2 =	vadd.f32 v4, v2  }
0x98: {  	v8 =	vnsel vm12, $0xFF7FFFFF, v60;
	vm13 =	veq.s32 v10, $0x1;
	v10 =	vpop (erf);
	(erf) = vpow2.f32 v7  }
0x99: {  	v7 =	vsub.f32 v8, v1;
	v2 =	vadd.f32 v10, v2;
	v8 =	vnsel vm13, $0xFF7FFFFF, v9  }
0x9a: {  	v3 =	vmul.f32 $1.442695020e+00, v3;
	v9 =	vpop (erf)  }
0x9b: {  	(erf) = vpow2.f32 v6;
	v2 =	vadd.f32 v9, v2  }
0x9c: {  	v6 =	vsub.f32 v8, v1;
	v7 =	vmul.f32 $1.442695020e+00, v7;
	v8 =	vpop (erf)  }
0x9d: {  	(erf) = vpow2.f32 v3;
	v2 =	vadd.f32 v8, v2  }
0x9e: {  	v6 =	vmul.f32 $1.442695020e+00, v6;
	v3 =	vpop (erf)  }
0x9f: {  	(erf) = vpow2.f32 v7;
	v2 =	vadd.f32 v3, v2  }
0xa0: {  	v7 =	vpop (erf)  }
0xa1: {  	(erf) = vpow2.f32 v6;
	v2 =	vadd.f32 v7, v2  }
0xa2: {  	v6 =	vpop (erf)  }
0xa3: {  	v2 =	vadd.f32 v6, v2  }
0xa4: {  	v11 =	vpop (erf)  }
0xa5: {  	v2 =	vadd.f32 v11, v2  }
0xa6: {  	v61 =	vpop (erf)  }
0xa7: {  	v2 =	vadd.f32 v61, v2  }
0xa8: {  	v62 =	vpop (erf)  }
0xa9: {  	v2 =	vadd.f32 v62, v2  }
0xaa: {  	v63 =	vpop (erf)  }
0xab: {  	v2 =	vadd.f32 v63, v2;
	_ =	sdelay $0x1  }
0xac: {  	(v2sf) =	vpush v2, $0x0  }
0xad: {  	(v2sf) =	vpush v2, $0x1;
	_ =	sdelay $0x1  }
0xae: {  	(v2sf) =	vpush v2, $0x2;
	_ =	sdelay $0x1  }
0xaf: {  	(v2sf) =	vpush v2, $0x3;
	_ =	sdelay $0x1  }
0xb0: {  	(v2sf) =	vpush v2, $0x4;
	_ =	sdelay $0x1  }
0xb1: {  	(v2sf) =	vpush v2, $0x5;
	_ =	sdelay $0x1  }
0xb2: {  	(v2sf) =	vpush v2, $0x6;
	_ =	sdelay $0x1  }
0xb3: {  	(v2sf) =	vpush v2, $0x7;
	_ =	sdelay $0x1  }
0xb4: {  	s31 =	spop (v2sf);
	(v2sf) =	vpush v2, $0x8  }
0xb5: {  	s16 =	spop (v2sf)  }
0xb6: {  	(v2sf) =	vpush v2, $0x9;
	s14 =	sadd.f32 s16, s31  }
0xb7: {  	s17 =	spop (v2sf)  }
0xb8: {  	(v2sf) =	vpush v2, $0xA;
	s14 =	sadd.f32 s14, s17  }
0xb9: {  	s18 =	spop (v2sf)  }
0xba: {  	(v2sf) =	vpush v2, $0xB;
	s14 =	sadd.f32 s14, s18  }
0xbb: {  	s19 =	spop (v2sf)  }
0xbc: {  	(v2sf) =	vpush v2, $0xC;
	s14 =	sadd.f32 s14, s19  }
0xbd: {  	s20 =	spop (v2sf)  }
0xbe: {  	(v2sf) =	vpush v2, $0xD;
	s14 =	sadd.f32 s14, s20  }
0xbf: {  	s21 =	spop (v2sf)  }
0xc0: {  	(v2sf) =	vpush v2, $0xE;
	s14 =	sadd.f32 s14, s21  }
0xc1: {  	s22 =	spop (v2sf)  }
0xc2: {  	(v2sf) =	vpush v2, $0xF;
	s14 =	sadd.f32 s14, s22  }
0xc3: {  	s23 =	spop (v2sf)  }
0xc4: {  	s14 =	sadd.f32 s14, s23  }
0xc5: {  	s24 =	spop (v2sf)  }
0xc6: {  	s14 =	sadd.f32 s14, s24  }
0xc7: {  	s25 =	spop (v2sf)  }
0xc8: {  	s14 =	sadd.f32 s14, s25  }
0xc9: {  	s26 =	spop (v2sf)  }
0xca: {  	s14 =	sadd.f32 s14, s26  }
0xcb: {  	s28 =	spop (v2sf)  }
0xcc: {  	s14 =	sadd.f32 s14, s28  }
0xcd: {  	s29 =	spop (v2sf)  }
0xce: {  	s14 =	sadd.f32 s14, s29  }
0xcf: {  	s30 =	spop (v2sf)  }
0xd0: {  	s14 =	sadd.f32 s14, s30  }
0xd1: {  	s31 =	spop (v2sf)  }
0xd2: {  	[tilespmem:s13+$0x10040] =	vst v5;
	s14 =	sadd.f32 s14, s31  }
0xd3: {  	[tilespmem:s13+$0x10050] =	vst v4  }
0xd4: {  	[tilespmem:s13+$0x10060] =	vst v10;
	v2 =	vmov s14  }
0xd5: {  	[tilespmem:s13+$0x10070] =	vst v9;
	v2 =	vmax.f32 v2, $1.000000000e-30  }
0xd6: {  	[tilespmem:s15+$0x10000] =	vst v8;
	v2 =	vbroadcast v2, $0x0  }
0xd7: {  	[tilespmem:s15+$0x10010] =	vst v3  }
0xd8: {  	[tilespmem:s15+$0x10020] =	vst v7;
	(erf) = vrcp.f32 v2  }
0xd9: {  	[tilespmem:s15+$0x10030] =	vst v6  }
0xda: {  	vm14 =	vgt.f32 v1, $-3.402823470e+38;
	[tilespmem:s15+$0x10040] =	vst v11  }
0xdb: {  	v1 =	vsel vm14, $0x1, v0;
	[tilespmem:s15+$0x10050] =	vst v61  }
0xdc: {  	v1 =	vbroadcast v1, $0x0;
	[tilespmem:s15+$0x10060] =	vst v62  }
0xdd: {  	s13 =	simm.s32 $0x0;
	[tilespmem:s15+$0x10070] =	vst v63  }
0xde: {  	v1 =	vand.u32 $0x1, v1;
	v6 =	vld [tilespmem:s13+$0x10000]  }
0xdf: {  	v7 =	vld [tilespmem:s13+$0x10010]  }
0xe0: {  	v4 =	vld [tilespmem:s13+$0x10020]  }
0xe1: {  	vm15 =	veq.s32 v1, $0x1;
	v2 =	vld [tilespmem:s13+$0x10030];
	v1 =	vpop (erf)  }
0xe2: {  	v3 =	vld [tilespmem:s13+$0x10040];
	v1 =	vnsel vm15, $0x0, v1  }
0xe3: {  	v5 =	vld [tilespmem:s13+$0x10050];
	v8 =	vmul.f32 v6, v1  }
0xe4: {  	s14 =	simm.s32 $0x200;
	v7 =	vmul.f32 v7, v1;
	v6 =	vld [tilespmem:s13+$0x10060]  }
.LBB2_6:
0xe5: {  	s15 =	sshra.s32 s14, $0x2;
	p0 =	sne.s32 s14, $0x1FE00;
	[tilespmem:s13+$0x10000] =	vst v8;
	v4 =	vmul.f32 v4, v1;
	v8 =	vld [tilespmem:s13+$0x10070]  }
0xe6: {  	v9 =	vld [tilespmem:s15+$0x10000];
	[tilespmem:s13+$0x10010] =	vst v7;
	v2 =	vmul.f32 v2, v1  }
0xe7: {  	v7 =	vld [tilespmem:s15+$0x10010];
	[tilespmem:s13+$0x10020] =	vst v4;
	v3 =	vmul.f32 v3, v1  }
.Ltmp2:
0xe8: {  	v4 =	vld [tilespmem:s15+$0x10020];
	[tilespmem:s13+$0x10030] =	vst v2;
	v5 =	vmul.f32 v5, v1;
	(pc) =	sbr.rel @p0 .LBB2_6-.Ltmp2, $4  }
0xe9: {  	v2 =	vld [tilespmem:s15+$0x10030];
	[tilespmem:s13+$0x10040] =	vst v3;
	v6 =	vmul.f32 v6, v1  }
0xea: {  	v3 =	vld [tilespmem:s15+$0x10040];
	[tilespmem:s13+$0x10050] =	vst v5;
	v10 =	vmul.f32 v8, v1  }
0xeb: {  	v8 =	vmul.f32 v9, v1;
	v5 =	vld [tilespmem:s15+$0x10050];
	[tilespmem:s13+$0x10060] =	vst v6  }
0xec: {  	s14 =	sadd.s32 $0x200, s14;
	v7 =	vmul.f32 v7, v1;
	v6 =	vld [tilespmem:s15+$0x10060];
	[tilespmem:s13+$0x10070] =	vst v10;
	s13 =	smov.u32 s15  }
0xed: {  	[tilespmem:s13+$0x10000] =	vst v8;
	v4 =	vmul.f32 v4, v1;
	v63 =	vld [tilespmem:s13+$0x10070]  }
0xee: {  	[tilespmem:s13+$0x10010] =	vst v7;
	v2 =	vmul.f32 v2, v1  }
0xef: {  	[tilespmem:s13+$0x10020] =	vst v4;
	v3 =	vmul.f32 v3, v1  }
0xf0: {  	[tilespmem:s13+$0x10030] =	vst v2;
	v2 =	vmul.f32 v5, v1  }
0xf1: {  	[tilespmem:s13+$0x10040] =	vst v3;
	v3 =	vmul.f32 v6, v1  }
0xf2: {  	s12 =	sadd.s32 $0x1, s12;
	[tilespmem:s13+$0x10050] =	vst v2;
	v1 =	vmul.f32 v63, v1  }
0xf3: {  	p0 =	sne.s32 s12, s6;
	[tilespmem:s13+$0x10060] =	vst v3  }
.Ltmp3:
0xf4: {  	[tilespmem:s13+$0x10070] =	vst v1;
	(pc) =	sbr.rel @p0 .LBB2_1-.Ltmp3, $4  }
0xf5: {  	[hbm4b:s5+s7] =	stream.strided.scatter [tilespmem:s11], [sflag:$0x1], $0x8000, s8, s7, $0x38;
	[tilespmem:$0x18000] =	vst v63  }
0xf6: {  	_ =	swait.ge [sflag:s9], $0x8000  }
0xf7: {  	[sflag:s9] =	ssyncset.done $0x0  }
0xf8: {  	[sflag:s9] =	ssyncadd.s32 $0xFFFF8000  }
0xf9: {  	_ =	sfence.sel $0x180000  }
0xfa: {  	[bflag:$0x0] =	sbarrier.arrive $0xFFFF  }
0xfb: {  	p0 =	sne.s32 s1, $0x0;
	_ =	strace $0x90000047  }
0xfc: {  	s0 =	sadd.s32 @!p0 $0x100000, s0;
	[bflag:$0x2] =	sbarrier.arrive $0xFFFF  }
0xfd: {  	[sflag:s0] =	ssyncadd.tile.s32 @!p0 $0x1;
	_ =	shalt  }
.Lfunc_end2:
_tile_overlayer_lowered:
.L_overlay_start_2:
0xfe: {  	(tag) =	ssettag $0x2  }
0xff: {  	s0 =	rddreg [dreg:$0x0];
	s2 =	stileid.u32  }
0x100: {  	s1 =	rddreg [dreg:$0x1];
	p0 =	sne.s32 s2, $0x0  }
0x101: {  	s3 =	rddreg [dreg:$0x2];
	[bflag:$0x3] =	sbarrier.arrive $0xFFFF;
	s2 =	simm.s32 @!p0 $0x1C01  }
0x102: {  	[timem:s3], [sflag:s2] =	dma.local @!p0 [hbm:s0], s1  }
0x103: {  	s0 =	simm.s32 @!p0 $0x1  }
0x104: {  	_ =	swait.ge @!p0 [sflag:s0], s1  }
0x105: {  	s1 =	ssub.s32 @!p0 $0x0, s1;
	[sflag:s0] =	ssyncset.done @!p0 $0x0  }
0x106: {  	[sflag:s0] =	ssyncadd.s32 @!p0 s1  }
0x107: {  	[bflag:$0x3] =	sbarrier.arrive $0xFFFF  }
0x108: {  	_ =	shalt  }

</sc_bundles>
